<compile_context>
chip_gen: v7x
topology: tpu7x:2x2x1
jax: 0.10.2.dev20260603
libtpu: 0.0.44.dev20260713+nightly
codegen_flags: <defaults>
</compile_context>

<pallas_src>
import functools

import jax
import jax.numpy as jnp
from jax import lax
from jax.experimental import pallas as pl
from jax.experimental.pallas import tpu as pltpu
from jax.experimental.pallas import tpu_sc as plsc

B, M, Mt, E = 2, 10000, 160000, 128
NC, NS = 2, 16
NW = NC * NS
K = 80
EPS = Mt // NS
NCH = EPS // K
GROWS = 640
MP = 10240
RPS = MP // NS

_mesh = plsc.VectorSubcoreMesh(core_axis_name="c", subcore_axis_name="s")


@functools.partial(
    pl.kernel,
    out_type=jax.ShapeDtypeStruct((NW * GROWS, E), jnp.float32),
    mesh=_mesh,
    scratch_types=[
        pltpu.VMEM((128,), jnp.int32),
        pltpu.VMEM((128, E), jnp.float32),
        pltpu.SemaphoreType.DMA,
    ],
)
def _sc_gather_c(table_hbm, ids_hbm, out_hbm, idx_v, rows_v, sem):
    w = lax.axis_index("s") * NC + lax.axis_index("c")
    for k in range(GROWS // 128):
        base = w * GROWS + k * 128
        pltpu.sync_copy(ids_hbm.at[pl.ds(base, 128)], idx_v)
        pltpu.async_copy(table_hbm.at[idx_v], rows_v, sem).wait()
        pltpu.sync_copy(rows_v, out_hbm.at[pl.ds(base, 128)])


@functools.partial(
    pl.kernel,
    out_type=jax.ShapeDtypeStruct((B, MP, E), jnp.float32),
    mesh=_mesh,
    scratch_types=[
        pltpu.VMEM((K,), jnp.int32),
        pltpu.VMEM((K,), jnp.int32),
        pltpu.VMEM((K,), jnp.int32),
        pltpu.VMEM((K,), jnp.int32),
        pltpu.VMEM((K,), jnp.int32),
        pltpu.VMEM((K, E), jnp.float32),
        pltpu.VMEM((K, E), jnp.float32),
        pltpu.VMEM((K, E), jnp.float32),
        pltpu.SemaphoreType.DMA,
        pltpu.VMEM_SHARED((MP, E), jnp.float32),
    ],
)
def _sc_aggregate(c_hbm, head_hbm, tail_hbm, headg_hbm, tailg_hbm, rel_hbm, negrel_hbm,
                  zacc_hbm,
                  acc_out,
                  idx_h, idx_t, idx_r, idx_hg, idx_tg,
                  buf_h, buf_t, buf_r, sem,
                  acc_sh):
    c = lax.axis_index("c")
    s = lax.axis_index("s")
    pltpu.sync_copy(zacc_hbm, acc_sh.at[pl.ds(s * RPS, RPS)])
    plsc.subcore_barrier()

    @pl.loop(0, NCH)
    def chunk(i):
        base = c * Mt + s * EPS + i * K
        l1 = pltpu.async_copy(head_hbm.at[pl.ds(base, K)], idx_h, sem)
        l2 = pltpu.async_copy(tail_hbm.at[pl.ds(base, K)], idx_t, sem)
        l3 = pltpu.async_copy(headg_hbm.at[pl.ds(base, K)], idx_hg, sem)
        l4 = pltpu.async_copy(tailg_hbm.at[pl.ds(base, K)], idx_tg, sem)
        l5 = pltpu.async_copy(rel_hbm.at[pl.ds(base, K)], idx_r, sem)
        l1.wait(); l2.wait(); l3.wait(); l4.wait(); l5.wait()
        g1 = pltpu.async_copy(c_hbm.at[idx_hg], buf_h, sem)
        g2 = pltpu.async_copy(c_hbm.at[idx_tg], buf_t, sem)
        g3 = pltpu.async_copy(negrel_hbm.at[idx_r], buf_r, sem)
        g1.wait(); g2.wait(); g3.wait()
        s1 = pltpu.async_copy(buf_h, acc_sh.at[idx_t], sem, add=True)
        s2 = pltpu.async_copy(buf_t, acc_sh.at[idx_h], sem, add=True)
        s3 = pltpu.async_copy(buf_r, acc_sh.at[idx_t], sem, add=True)
        s4 = pltpu.async_copy(buf_r, acc_sh.at[idx_h], sem, add=True)
        s1.wait(); s2.wait(); s3.wait(); s4.wait()

    plsc.subcore_barrier()
    pltpu.sync_copy(acc_sh.at[pl.ds(s * RPS, RPS)], acc_out.at[c, pl.ds(s * RPS, RPS)])


CROWS = 640
CRPS = CROWS // NS


@functools.partial(
    pl.kernel,
    out_type=jax.ShapeDtypeStruct((B, CROWS, E), jnp.float32),
    mesh=_mesh,
    scratch_types=[
        pltpu.VMEM((K,), jnp.int32),
        pltpu.VMEM((K,), jnp.int32),
        pltpu.VMEM((K,), jnp.int32),
        pltpu.VMEM((K,), jnp.int32),
        pltpu.VMEM((K, E), jnp.float32),
        pltpu.VMEM((K, E), jnp.float32),
        pltpu.SemaphoreType.DMA,
        pltpu.VMEM_SHARED((CROWS, E), jnp.float32),
    ],
)
def _sc_count(tdiv_hbm, tmod_hbm, hdiv_hbm, hmod_hbm, pat_hbm, zcnt_hbm,
              cnt_out,
              idx_td, idx_tm, idx_hd, idx_hm, buf_pt, buf_ph, sem,
              cnt_sh):
    c = lax.axis_index("c")
    s = lax.axis_index("s")
    pltpu.sync_copy(zcnt_hbm, cnt_sh.at[pl.ds(s * CRPS, CRPS)])
    plsc.subcore_barrier()

    @pl.loop(0, NCH)
    def chunk(i):
        base = c * Mt + s * EPS + i * K
        l1 = pltpu.async_copy(tdiv_hbm.at[pl.ds(base, K)], idx_td, sem)
        l2 = pltpu.async_copy(tmod_hbm.at[pl.ds(base, K)], idx_tm, sem)
        l3 = pltpu.async_copy(hdiv_hbm.at[pl.ds(base, K)], idx_hd, sem)
        l4 = pltpu.async_copy(hmod_hbm.at[pl.ds(base, K)], idx_hm, sem)
        l1.wait(); l2.wait(); l3.wait(); l4.wait()
        g1 = pltpu.async_copy(pat_hbm.at[idx_tm], buf_pt, sem)
        g2 = pltpu.async_copy(pat_hbm.at[idx_hm], buf_ph, sem)
        g1.wait(); g2.wait()
        s1 = pltpu.async_copy(buf_pt, cnt_sh.at[idx_td], sem, add=True)
        s2 = pltpu.async_copy(buf_ph, cnt_sh.at[idx_hd], sem, add=True)
        s1.wait(); s2.wait()

    plsc.subcore_barrier()
    pltpu.sync_copy(cnt_sh.at[pl.ds(s * CRPS, CRPS)], cnt_out.at[c, pl.ds(s * CRPS, CRPS)])


def _dense_body(c_ref, acc_ref, cnt_ref, ws_ref, wn_ref, o_ref):
    cnt = jnp.maximum(cnt_ref[:, 0:1], 1.0)
    upd = acc_ref[...] * (1.0 / cnt)
    x = jnp.dot(c_ref[...], ws_ref[...], preferred_element_type=jnp.float32)
    x = x + jnp.dot(upd, wn_ref[...], preferred_element_type=jnp.float32)
    o_ref[...] = jnp.maximum(x, 0.0)


def _relhid_body(rt_ref, wr_ref, o_ref):
    o_ref[...] = jnp.dot(rt_ref[...], wr_ref[...], preferred_element_type=jnp.float32)


@functools.partial(
    pl.kernel,
    out_type=jax.ShapeDtypeStruct((B, Mt, 3 * E), jnp.float32),
    mesh=_mesh,
    scratch_types=[
        pltpu.VMEM((K,), jnp.int32),
        pltpu.VMEM((K,), jnp.int32),
        pltpu.VMEM((K,), jnp.int32),
        pltpu.VMEM((K, E), jnp.float32),
        pltpu.VMEM((K, E), jnp.float32),
        pltpu.VMEM((K, E), jnp.float32),
        pltpu.SemaphoreType.DMA,
    ],
)
def _sc_assemble(ch_hbm, relhid_hbm, headg_hbm, tailg_hbm, rel_hbm, out_hbm,
                 idx_hg, idx_tg, idx_r,
                 buf_h, buf_r, buf_t, sem):
    c = lax.axis_index("c")
    s = lax.axis_index("s")

    @pl.loop(0, NCH)
    def chunk(i):
        ebase = s * EPS + i * K
        base = c * Mt + ebase
        l1 = pltpu.async_copy(headg_hbm.at[pl.ds(base, K)], idx_hg, sem)
        l2 = pltpu.async_copy(tailg_hbm.at[pl.ds(base, K)], idx_tg, sem)
        l3 = pltpu.async_copy(rel_hbm.at[pl.ds(base, K)], idx_r, sem)
        l1.wait(); l2.wait(); l3.wait()
        g1 = pltpu.async_copy(ch_hbm.at[idx_hg], buf_h, sem)
        g2 = pltpu.async_copy(relhid_hbm.at[idx_r], buf_r, sem)
        g3 = pltpu.async_copy(ch_hbm.at[idx_tg], buf_t, sem)
        g1.wait(); g2.wait(); g3.wait()
        w1 = pltpu.async_copy(buf_h, out_hbm.at[c, pl.ds(ebase, K), pl.ds(0, E)], sem)
        w2 = pltpu.async_copy(buf_r, out_hbm.at[c, pl.ds(ebase, K), pl.ds(E, E)], sem)
        w3 = pltpu.async_copy(buf_t, out_hbm.at[c, pl.ds(ebase, K), pl.ds(2 * E, E)], sem)
        w1.wait(); w2.wait(); w3.wait()


def kernel(concept_ids, relations, head_ids, tail_ids, concept_table,
           relation_table, W_s, W_n, W_r):
    i32 = jnp.int32
    ci = concept_ids.astype(i32).reshape(-1)
    ci_pad = jnp.concatenate([ci, jnp.zeros((NW * GROWS - B * M,), i32)])
    rel = relations.astype(i32).reshape(-1)
    hd = head_ids.astype(i32).reshape(-1)
    tl = tail_ids.astype(i32).reshape(-1)
    boff = (jnp.arange(B, dtype=i32)[:, None] * M).repeat(Mt, axis=1).reshape(-1)
    hd_g = hd + boff
    tl_g = tl + boff

    c_pad = _sc_gather_c(concept_table, ci_pad)

    zacc = jnp.zeros((RPS, E), jnp.float32)
    accp = _sc_aggregate(c_pad, hd, tl, hd_g, tl_g, rel, -relation_table, zacc)
    acc = accp[:, :M]

    t_div = tl >> 4
    t_mod = tl & 15
    h_div = hd >> 4
    h_mod = hd & 15
    pat = (jnp.arange(E, dtype=i32)[None, :] // 8 ==
           jnp.arange(16, dtype=i32)[:, None]).astype(jnp.float32)
    zcnt = jnp.zeros((CRPS, E), jnp.float32)
    cntp = _sc_count(t_div, t_mod, h_div, h_mod, pat, zcnt)
    cnt8 = cntp.reshape(B, MP, 8)[:, :M]

    ws_t = W_s[-1].T
    wn_t = W_n[-1].T
    c2 = c_pad[:B * M]
    ch = pl.pallas_call(
        _dense_body,
        grid=(10,),
        in_specs=[
            pl.BlockSpec((B * M // 10, E), lambda i: (i, 0)),
            pl.BlockSpec((B * M // 10, E), lambda i: (i, 0)),
            pl.BlockSpec((B * M // 10, 8), lambda i: (i, 0)),
            pl.BlockSpec((E, E), lambda i: (0, 0)),
            pl.BlockSpec((E, E), lambda i: (0, 0)),
        ],
        out_specs=pl.BlockSpec((B * M // 10, E), lambda i: (i, 0)),
        out_shape=jax.ShapeDtypeStruct((B * M, E), jnp.float32),
    )(c2, acc.reshape(B * M, E), cnt8.reshape(B * M, 8), ws_t, wn_t)

    relhid = pl.pallas_call(
        _relhid_body,
        out_shape=jax.ShapeDtypeStruct((relation_table.shape[0], E), jnp.float32),
    )(relation_table, W_r[-1].T)

    return _sc_assemble(ch, relhid, hd_g, tl_g, rel)

# --- scband reference (transcript-rebuilt; emitter-appended) ---
"""Pipeline reference for scband-triple-encoder-75204877353154 (READ-ONLY COPY).

The authoritative reference and input builder live on the scoring server;
editing this copy changes nothing except your own understanding.
"""

import jax, jax.numpy as jnp
import numpy as np

B, M, Mt, E = 2, 10000, 160000, 128
V, R, NUM_HOPS = 100000, 40, 2


def _scatter_add(data, idx, num_segments):
    # batched scatter-add along dim 1: data [B, Mt, ...], idx [B, Mt]
    return jax.vmap(lambda d, i: jax.ops.segment_sum(d, i, num_segments=num_segments))(data, idx)


def setup_inputs(seed: int = 0) -> dict:
    key = jax.random.key(seed)
    ks = jax.random.split(key, 9)
    concept_ids = jax.random.randint(ks[0], (B, M), 0, V, dtype=jnp.int64 if jax.config.jax_enable_x64 else jnp.int32)
    relations = jax.random.randint(ks[1], (B, Mt), 0, R, dtype=concept_ids.dtype)
    head_ids = jax.random.randint(ks[2], (B, Mt), 0, M, dtype=concept_ids.dtype)
    tail_ids = jax.random.randint(ks[3], (B, Mt), 0, M, dtype=concept_ids.dtype)
    concept_table = jax.random.normal(ks[4], (V, E), dtype=jnp.float32) * 0.02
    relation_table = jax.random.normal(ks[5], (R, E), dtype=jnp.float32) * 0.02
    W_s = jax.random.normal(ks[6], (NUM_HOPS, E, E), dtype=jnp.float32) * 0.05
    W_n = jax.random.normal(ks[7], (NUM_HOPS, E, E), dtype=jnp.float32) * 0.05
    W_r = jax.random.normal(ks[8], (NUM_HOPS, E, E), dtype=jnp.float32) * 0.05
    return {"concept_ids": concept_ids, "relations": relations, "head_ids": head_ids,
            "tail_ids": tail_ids, "concept_table": concept_table,
            "relation_table": relation_table, "W_s": W_s, "W_n": W_n, "W_r": W_r}


def reference(concept_ids, relations, head_ids, tail_ids, concept_table, relation_table, W_s, W_n, W_r):
    # Embedding lookups
    concept_repr = jnp.take(concept_table, concept_ids, axis=0)   # [B, M, E]
    rel_repr = jnp.take(relation_table, relations, axis=0)        # [B, Mt, E]

    num_hops = W_s.shape[0]
    b, m, e = concept_repr.shape
    mt = head_ids.shape[1]

    head_idx_e = jnp.broadcast_to(head_ids[:, :, None], (b, mt, e))
    tail_idx_e = jnp.broadcast_to(tail_ids[:, :, None], (b, mt, e))

    concept_hidden, relation_hidden = concept_repr, rel_repr
    for l in range(num_hops):
        # NOTE: faithful to original code, which reads concept_repr/rel_repr each hop
        count = jnp.ones((b, mt), dtype=jnp.float32)
        o_head = jnp.take_along_axis(concept_repr, head_idx_e, axis=1)  # gather heads
        update_node = _scatter_add(o_head, tail_ids, m)
        update_node = update_node + _scatter_add(-rel_repr, tail_ids, m)
        count_out = _scatter_add(count, tail_ids, m)
        o_tail = jnp.take_along_axis(concept_repr, tail_idx_e, axis=1)  # gather tails
        update_node = update_node + _scatter_add(o_tail, head_ids, m)
        update_node = update_node + _scatter_add(-rel_repr, head_ids, m)
        count_out = count_out + _scatter_add(count, head_ids, m)

        upd = jnp.einsum('bme,oe->bmo', concept_repr, W_s[l]) \
            + jnp.einsum('bme,oe->bmo', update_node, W_n[l]) / jnp.clip(count_out, 1.0, None)[:, :, None]
        concept_hidden = jax.nn.relu(upd)
        relation_hidden = jnp.einsum('bte,oe->bto', rel_repr, W_r[l])

    node_repr = concept_hidden
    head_repr = jnp.take_along_axis(node_repr, head_idx_e, axis=1)
    tail_repr = jnp.take_along_axis(node_repr, tail_idx_e, axis=1)
    triple_repr = jnp.concatenate((head_repr, relation_hidden, tail_repr), axis=-1)  # [B, Mt, 3E]
    return triple_repr

if __name__ == "__main__":
    import jax
    _d = setup_inputs()
    print(jax.jit(kernel)(*tuple(_d.values())))

</pallas_src>

<mosaic_0001>
#map = affine_map<(d0, d1) -> (0, 0)>
#map1 = affine_map<(d0, d1) -> (0)>
module attributes {stable_mosaic.version = 14 : i64} {
  func.func @_sc_gather_c(%arg0: i32, %arg1: i32, %arg2: memref<100000x128xf32, #tpu.memory_space<hbm>>, %arg3: memref<20480xi32, #tpu.memory_space<hbm>>, %arg4: memref<20480x128xf32, #tpu.memory_space<hbm>>, %arg5: memref<128xi32, #tpu.memory_space<vmem>>, %arg6: memref<128x128xf32, #tpu.memory_space<vmem>>, %arg7: memref<!tpu.dma_semaphore, #tpu.memory_space<semaphore_mem>>) attributes {dimension_semantics = [#tpu.dimension_semantics<core_parallel>, #tpu.dimension_semantics<subcore_parallel>], iteration_bounds = array<i64: 2, 16>, scalar_prefetch = 0 : i64, scratch_operands = 3 : i64, tpu.core_type = #tpu.core_type<sc_vector_subcore>, window_params = [{transform_indices = #map}, {transform_indices = #map1}, {transform_indices = #map}]} {
    %mul3A = arith.constant 2 : i32
    %mul3A_0 = arith.muli %arg1, %mul3A : i32
    %add3A = arith.addi %mul3A_0, %arg0 : i32
    %mul3A_1 = arith.constant 640 : i32
    %mul3A_2 = arith.muli %add3A, %mul3A_1 : i32
    %add3A_3 = arith.constant 0 : i32
    %add3A_4 = arith.addi %mul3A_2, %add3A_3 : i32
    "tpu.region"() ({
      %run_scoped3A = tpu.sem_alloc : memref<!tpu.dma_semaphore, #tpu.memory_space<semaphore_mem>>
      %dma_start3A_49 = tpu.memref_slice %arg3[%add3A_4] : memref<20480xi32, #tpu.memory_space<hbm>> -> memref<128xi32, #tpu.memory_space<hbm>>
      %dma_start3A_50 = tpu.memref_slice %arg3[%add3A_4] : memref<20480xi32, #tpu.memory_space<hbm>> -> memref<128xi32, #tpu.memory_space<hbm>>
      tpu.enqueue_dma source(%dma_start3A_50 : memref<128xi32, #tpu.memory_space<hbm>>) target(%arg5 : memref<128xi32, #tpu.memory_space<vmem>>) target_semaphore(%run_scoped3A : memref<!tpu.dma_semaphore, #tpu.memory_space<semaphore_mem>>)
      %dma_wait3A_51 = tpu.memref_slice %arg3[%add3A_4] : memref<20480xi32, #tpu.memory_space<hbm>> -> memref<128xi32, #tpu.memory_space<hbm>>
      %dma_wait3A_52 = tpu.memref_slice %arg3[%add3A_4] : memref<20480xi32, #tpu.memory_space<hbm>> -> memref<128xi32, #tpu.memory_space<hbm>>
      tpu.wait_dma2 semaphore(%run_scoped3A : memref<!tpu.dma_semaphore, #tpu.memory_space<semaphore_mem>>) src(%dma_wait3A_52 : memref<128xi32, #tpu.memory_space<hbm>>) dst(%arg5 : memref<128xi32, #tpu.memory_space<vmem>>)
      tpu.yield
    }) : () -> ()
    %dma_start3A = arith.constant 0 : i32
    %dma_start3A_5 = arith.constant 0 : i32
    %dma_start3A_6 = tpu.memref_slice %arg2[%dma_start3A, %dma_start3A_5] : memref<100000x128xf32, #tpu.memory_space<hbm>> -> memref<100000x128xf32, #tpu.memory_space<hbm>>
    tpu.enqueue_indirect_dma source(%dma_start3A_6 : memref<100000x128xf32, #tpu.memory_space<hbm>>) target(%arg6 : memref<128x128xf32, #tpu.memory_space<vmem>>) offsets(%arg5 : memref<128xi32, #tpu.memory_space<vmem>>) semaphore(%arg7 : memref<!tpu.dma_semaphore, #tpu.memory_space<semaphore_mem>>)
    %dma_wait3A = arith.constant 0 : i32
    %dma_wait3A_7 = arith.constant 0 : i32
    %dma_wait3A_8 = tpu.memref_slice %arg2[%dma_wait3A, %dma_wait3A_7] : memref<100000x128xf32, #tpu.memory_space<hbm>> -> memref<100000x128xf32, #tpu.memory_space<hbm>>
    tpu.wait_indirect_dma semaphore(%arg7 : memref<!tpu.dma_semaphore, #tpu.memory_space<semaphore_mem>>) src(%dma_wait3A_8 : memref<100000x128xf32, #tpu.memory_space<hbm>>) dst(%arg6 : memref<128x128xf32, #tpu.memory_space<vmem>>)
    "tpu.region"() ({
      %run_scoped3A = tpu.sem_alloc : memref<!tpu.dma_semaphore, #tpu.memory_space<semaphore_mem>>
      %dma_start3A_49 = arith.constant 0 : i32
      %dma_start3A_50 = tpu.memref_slice %arg4[%add3A_4, %dma_start3A_49] : memref<20480x128xf32, #tpu.memory_space<hbm>> -> memref<128x128xf32, #tpu.memory_space<hbm>>
      %dma_start3A_51 = arith.constant 0 : i32
      %dma_start3A_52 = tpu.memref_slice %arg4[%add3A_4, %dma_start3A_51] : memref<20480x128xf32, #tpu.memory_space<hbm>> -> memref<128x128xf32, #tpu.memory_space<hbm>>
      tpu.enqueue_dma source(%arg6 : memref<128x128xf32, #tpu.memory_space<vmem>>) target(%dma_start3A_52 : memref<128x128xf32, #tpu.memory_space<hbm>>) target_semaphore(%run_scoped3A : memref<!tpu.dma_semaphore, #tpu.memory_space<semaphore_mem>>)
      %dma_wait3A_53 = arith.constant 0 : i32
      %dma_wait3A_54 = tpu.memref_slice %arg4[%add3A_4, %dma_wait3A_53] : memref<20480x128xf32, #tpu.memory_space<hbm>> -> memref<128x128xf32, #tpu.memory_space<hbm>>
      %dma_wait3A_55 = arith.constant 0 : i32
      %dma_wait3A_56 = tpu.memref_slice %arg4[%add3A_4, %dma_wait3A_55] : memref<20480x128xf32, #tpu.memory_space<hbm>> -> memref<128x128xf32, #tpu.memory_space<hbm>>
      tpu.wait_dma2 semaphore(%run_scoped3A : memref<!tpu.dma_semaphore, #tpu.memory_space<semaphore_mem>>) src(%arg6 : memref<128x128xf32, #tpu.memory_space<vmem>>) dst(%dma_wait3A_56 : memref<128x128xf32, #tpu.memory_space<hbm>>)
      tpu.yield
    }) : () -> ()
    %mul3A_9 = arith.constant 640 : i32
    %mul3A_10 = arith.muli %add3A, %mul3A_9 : i32
    %add3A_11 = arith.constant 128 : i32
    %add3A_12 = arith.addi %mul3A_10, %add3A_11 : i32
    "tpu.region"() ({
      %run_scoped3A = tpu.sem_alloc : memref<!tpu.dma_semaphore, #tpu.memory_space<semaphore_mem>>
      %dma_start3A_49 = tpu.memref_slice %arg3[%add3A_12] : memref<20480xi32, #tpu.memory_space<hbm>> -> memref<128xi32, #tpu.memory_space<hbm>>
      %dma_start3A_50 = tpu.memref_slice %arg3[%add3A_12] : memref<20480xi32, #tpu.memory_space<hbm>> -> memref<128xi32, #tpu.memory_space<hbm>>
      tpu.enqueue_dma source(%dma_start3A_50 : memref<128xi32, #tpu.memory_space<hbm>>) target(%arg5 : memref<128xi32, #tpu.memory_space<vmem>>) target_semaphore(%run_scoped3A : memref<!tpu.dma_semaphore, #tpu.memory_space<semaphore_mem>>)
      %dma_wait3A_51 = tpu.memref_slice %arg3[%add3A_12] : memref<20480xi32, #tpu.memory_space<hbm>> -> memref<128xi32, #tpu.memory_space<hbm>>
      %dma_wait3A_52 = tpu.memref_slice %arg3[%add3A_12] : memref<20480xi32, #tpu.memory_space<hbm>> -> memref<128xi32, #tpu.memory_space<hbm>>
      tpu.wait_dma2 semaphore(%run_scoped3A : memref<!tpu.dma_semaphore, #tpu.memory_space<semaphore_mem>>) src(%dma_wait3A_52 : memref<128xi32, #tpu.memory_space<hbm>>) dst(%arg5 : memref<128xi32, #tpu.memory_space<vmem>>)
      tpu.yield
    }) : () -> ()
    %dma_start3A_13 = arith.constant 0 : i32
    %dma_start3A_14 = arith.constant 0 : i32
    %dma_start3A_15 = tpu.memref_slice %arg2[%dma_start3A_13, %dma_start3A_14] : memref<100000x128xf32, #tpu.memory_space<hbm>> -> memref<100000x128xf32, #tpu.memory_space<hbm>>
    tpu.enqueue_indirect_dma source(%dma_start3A_15 : memref<100000x128xf32, #tpu.memory_space<hbm>>) target(%arg6 : memref<128x128xf32, #tpu.memory_space<vmem>>) offsets(%arg5 : memref<128xi32, #tpu.memory_space<vmem>>) semaphore(%arg7 : memref<!tpu.dma_semaphore, #tpu.memory_space<semaphore_mem>>)
    %dma_wait3A_16 = arith.constant 0 : i32
    %dma_wait3A_17 = arith.constant 0 : i32
    %dma_wait3A_18 = tpu.memref_slice %arg2[%dma_wait3A_16, %dma_wait3A_17] : memref<100000x128xf32, #tpu.memory_space<hbm>> -> memref<100000x128xf32, #tpu.memory_space<hbm>>
    tpu.wait_indirect_dma semaphore(%arg7 : memref<!tpu.dma_semaphore, #tpu.memory_space<semaphore_mem>>) src(%dma_wait3A_18 : memref<100000x128xf32, #tpu.memory_space<hbm>>) dst(%arg6 : memref<128x128xf32, #tpu.memory_space<vmem>>)
    "tpu.region"() ({
      %run_scoped3A = tpu.sem_alloc : memref<!tpu.dma_semaphore, #tpu.memory_space<semaphore_mem>>
      %dma_start3A_49 = arith.constant 0 : i32
      %dma_start3A_50 = tpu.memref_slice %arg4[%add3A_12, %dma_start3A_49] : memref<20480x128xf32, #tpu.memory_space<hbm>> -> memref<128x128xf32, #tpu.memory_space<hbm>>
      %dma_start3A_51 = arith.constant 0 : i32
      %dma_start3A_52 = tpu.memref_slice %arg4[%add3A_12, %dma_start3A_51] : memref<20480x128xf32, #tpu.memory_space<hbm>> -> memref<128x128xf32, #tpu.memory_space<hbm>>
      tpu.enqueue_dma source(%arg6 : memref<128x128xf32, #tpu.memory_space<vmem>>) target(%dma_start3A_52 : memref<128x128xf32, #tpu.memory_space<hbm>>) target_semaphore(%run_scoped3A : memref<!tpu.dma_semaphore, #tpu.memory_space<semaphore_mem>>)
      %dma_wait3A_53 = arith.constant 0 : i32
      %dma_wait3A_54 = tpu.memref_slice %arg4[%add3A_12, %dma_wait3A_53] : memref<20480x128xf32, #tpu.memory_space<hbm>> -> memref<128x128xf32, #tpu.memory_space<hbm>>
      %dma_wait3A_55 = arith.constant 0 : i32
      %dma_wait3A_56 = tpu.memref_slice %arg4[%add3A_12, %dma_wait3A_55] : memref<20480x128xf32, #tpu.memory_space<hbm>> -> memref<128x128xf32, #tpu.memory_space<hbm>>
      tpu.wait_dma2 semaphore(%run_scoped3A : memref<!tpu.dma_semaphore, #tpu.memory_space<semaphore_mem>>) src(%arg6 : memref<128x128xf32, #tpu.memory_space<vmem>>) dst(%dma_wait3A_56 : memref<128x128xf32, #tpu.memory_space<hbm>>)
      tpu.yield
    }) : () -> ()
    %mul3A_19 = arith.constant 640 : i32
    %mul3A_20 = arith.muli %add3A, %mul3A_19 : i32
    %add3A_21 = arith.constant 256 : i32
    %add3A_22 = arith.addi %mul3A_20, %add3A_21 : i32
    "tpu.region"() ({
      %run_scoped3A = tpu.sem_alloc : memref<!tpu.dma_semaphore, #tpu.memory_space<semaphore_mem>>
      %dma_start3A_49 = tpu.memref_slice %arg3[%add3A_22] : memref<20480xi32, #tpu.memory_space<hbm>> -> memref<128xi32, #tpu.memory_space<hbm>>
      %dma_start3A_50 = tpu.memref_slice %arg3[%add3A_22] : memref<20480xi32, #tpu.memory_space<hbm>> -> memref<128xi32, #tpu.memory_space<hbm>>
      tpu.enqueue_dma source(%dma_start3A_50 : memref<128xi32, #tpu.memory_space<hbm>>) target(%arg5 : memref<128xi32, #tpu.memory_space<vmem>>) target_semaphore(%run_scoped3A : memref<!tpu.dma_semaphore, #tpu.memory_space<semaphore_mem>>)
      %dma_wait3A_51 = tpu.memref_slice %arg3[%add3A_22] : memref<20480xi32, #tpu.memory_space<hbm>> -> memref<128xi32, #tpu.memory_space<hbm>>
      %dma_wait3A_52 = tpu.memref_slice %arg3[%add3A_22] : memref<20480xi32, #tpu.memory_space<hbm>> -> memref<128xi32, #tpu.memory_space<hbm>>
      tpu.wait_dma2 semaphore(%run_scoped3A : memref<!tpu.dma_semaphore, #tpu.memory_space<semaphore_mem>>) src(%dma_wait3A_52 : memref<128xi32, #tpu.memory_space<hbm>>) dst(%arg5 : memref<128xi32, #tpu.memory_space<vmem>>)
      tpu.yield
    }) : () -> ()
    %dma_start3A_23 = arith.constant 0 : i32
    %dma_start3A_24 = arith.constant 0 : i32
    %dma_start3A_25 = tpu.memref_slice %arg2[%dma_start3A_23, %dma_start3A_24] : memref<100000x128xf32, #tpu.memory_space<hbm>> -> memref<100000x128xf32, #tpu.memory_space<hbm>>
    tpu.enqueue_indirect_dma source(%dma_start3A_25 : memref<100000x128xf32, #tpu.memory_space<hbm>>) target(%arg6 : memref<128x128xf32, #tpu.memory_space<vmem>>) offsets(%arg5 : memref<128xi32, #tpu.memory_space<vmem>>) semaphore(%arg7 : memref<!tpu.dma_semaphore, #tpu.memory_space<semaphore_mem>>)
    %dma_wait3A_26 = arith.constant 0 : i32
    %dma_wait3A_27 = arith.constant 0 : i32
    %dma_wait3A_28 = tpu.memref_slice %arg2[%dma_wait3A_26, %dma_wait3A_27] : memref<100000x128xf32, #tpu.memory_space<hbm>> -> memref<100000x128xf32, #tpu.memory_space<hbm>>
    tpu.wait_indirect_dma semaphore(%arg7 : memref<!tpu.dma_semaphore, #tpu.memory_space<semaphore_mem>>) src(%dma_wait3A_28 : memref<100000x128xf32, #tpu.memory_space<hbm>>) dst(%arg6 : memref<128x128xf32, #tpu.memory_space<vmem>>)
    "tpu.region"() ({
      %run_scoped3A = tpu.sem_alloc : memref<!tpu.dma_semaphore, #tpu.memory_space<semaphore_mem>>
      %dma_start3A_49 = arith.constant 0 : i32
      %dma_start3A_50 = tpu.memref_slice %arg4[%add3A_22, %dma_start3A_49] : memref<20480x128xf32, #tpu.memory_space<hbm>> -> memref<128x128xf32, #tpu.memory_space<hbm>>
      %dma_start3A_51 = arith.constant 0 : i32
      %dma_start3A_52 = tpu.memref_slice %arg4[%add3A_22, %dma_start3A_51] : memref<20480x128xf32, #tpu.memory_space<hbm>> -> memref<128x128xf32, #tpu.memory_space<hbm>>
      tpu.enqueue_dma source(%arg6 : memref<128x128xf32, #tpu.memory_space<vmem>>) target(%dma_start3A_52 : memref<128x128xf32, #tpu.memory_space<hbm>>) target_semaphore(%run_scoped3A : memref<!tpu.dma_semaphore, #tpu.memory_space<semaphore_mem>>)
      %dma_wait3A_53 = arith.constant 0 : i32
      %dma_wait3A_54 = tpu.memref_slice %arg4[%add3A_22, %dma_wait3A_53] : memref<20480x128xf32, #tpu.memory_space<hbm>> -> memref<128x128xf32, #tpu.memory_space<hbm>>
      %dma_wait3A_55 = arith.constant 0 : i32
      %dma_wait3A_56 = tpu.memref_slice %arg4[%add3A_22, %dma_wait3A_55] : memref<20480x128xf32, #tpu.memory_space<hbm>> -> memref<128x128xf32, #tpu.memory_space<hbm>>
      tpu.wait_dma2 semaphore(%run_scoped3A : memref<!tpu.dma_semaphore, #tpu.memory_space<semaphore_mem>>) src(%arg6 : memref<128x128xf32, #tpu.memory_space<vmem>>) dst(%dma_wait3A_56 : memref<128x128xf32, #tpu.memory_space<hbm>>)
      tpu.yield
    }) : () -> ()
    %mul3A_29 = arith.constant 640 : i32
    %mul3A_30 = arith.muli %add3A, %mul3A_29 : i32
    %add3A_31 = arith.constant 384 : i32
    %add3A_32 = arith.addi %mul3A_30, %add3A_31 : i32
    "tpu.region"() ({
      %run_scoped3A = tpu.sem_alloc : memref<!tpu.dma_semaphore, #tpu.memory_space<semaphore_mem>>
      %dma_start3A_49 = tpu.memref_slice %arg3[%add3A_32] : memref<20480xi32, #tpu.memory_space<hbm>> -> memref<128xi32, #tpu.memory_space<hbm>>
      %dma_start3A_50 = tpu.memref_slice %arg3[%add3A_32] : memref<20480xi32, #tpu.memory_space<hbm>> -> memref<128xi32, #tpu.memory_space<hbm>>
      tpu.enqueue_dma source(%dma_start3A_50 : memref<128xi32, #tpu.memory_space<hbm>>) target(%arg5 : memref<128xi32, #tpu.memory_space<vmem>>) target_semaphore(%run_scoped3A : memref<!tpu.dma_semaphore, #tpu.memory_space<semaphore_mem>>)
      %dma_wait3A_51 = tpu.memref_slice %arg3[%add3A_32] : memref<20480xi32, #tpu.memory_space<hbm>> -> memref<128xi32, #tpu.memory_space<hbm>>
      %dma_wait3A_52 = tpu.memref_slice %arg3[%add3A_32] : memref<20480xi32, #tpu.memory_space<hbm>> -> memref<128xi32, #tpu.memory_space<hbm>>
      tpu.wait_dma2 semaphore(%run_scoped3A : memref<!tpu.dma_semaphore, #tpu.memory_space<semaphore_mem>>) src(%dma_wait3A_52 : memref<128xi32, #tpu.memory_space<hbm>>) dst(%arg5 : memref<128xi32, #tpu.memory_space<vmem>>)
      tpu.yield
    }) : () -> ()
    %dma_start3A_33 = arith.constant 0 : i32
    %dma_start3A_34 = arith.constant 0 : i32
    %dma_start3A_35 = tpu.memref_slice %arg2[%dma_start3A_33, %dma_start3A_34] : memref<100000x128xf32, #tpu.memory_space<hbm>> -> memref<100000x128xf32, #tpu.memory_space<hbm>>
    tpu.enqueue_indirect_dma source(%dma_start3A_35 : memref<100000x128xf32, #tpu.memory_space<hbm>>) target(%arg6 : memref<128x128xf32, #tpu.memory_space<vmem>>) offsets(%arg5 : memref<128xi32, #tpu.memory_space<vmem>>) semaphore(%arg7 : memref<!tpu.dma_semaphore, #tpu.memory_space<semaphore_mem>>)
    %dma_wait3A_36 = arith.constant 0 : i32
    %dma_wait3A_37 = arith.constant 0 : i32
    %dma_wait3A_38 = tpu.memref_slice %arg2[%dma_wait3A_36, %dma_wait3A_37] : memref<100000x128xf32, #tpu.memory_space<hbm>> -> memref<100000x128xf32, #tpu.memory_space<hbm>>
    tpu.wait_indirect_dma semaphore(%arg7 : memref<!tpu.dma_semaphore, #tpu.memory_space<semaphore_mem>>) src(%dma_wait3A_38 : memref<100000x128xf32, #tpu.memory_space<hbm>>) dst(%arg6 : memref<128x128xf32, #tpu.memory_space<vmem>>)
    "tpu.region"() ({
      %run_scoped3A = tpu.sem_alloc : memref<!tpu.dma_semaphore, #tpu.memory_space<semaphore_mem>>
      %dma_start3A_49 = arith.constant 0 : i32
      %dma_start3A_50 = tpu.memref_slice %arg4[%add3A_32, %dma_start3A_49] : memref<20480x128xf32, #tpu.memory_space<hbm>> -> memref<128x128xf32, #tpu.memory_space<hbm>>
      %dma_start3A_51 = arith.constant 0 : i32
      %dma_start3A_52 = tpu.memref_slice %arg4[%add3A_32, %dma_start3A_51] : memref<20480x128xf32, #tpu.memory_space<hbm>> -> memref<128x128xf32, #tpu.memory_space<hbm>>
      tpu.enqueue_dma source(%arg6 : memref<128x128xf32, #tpu.memory_space<vmem>>) target(%dma_start3A_52 : memref<128x128xf32, #tpu.memory_space<hbm>>) target_semaphore(%run_scoped3A : memref<!tpu.dma_semaphore, #tpu.memory_space<semaphore_mem>>)
      %dma_wait3A_53 = arith.constant 0 : i32
      %dma_wait3A_54 = tpu.memref_slice %arg4[%add3A_32, %dma_wait3A_53] : memref<20480x128xf32, #tpu.memory_space<hbm>> -> memref<128x128xf32, #tpu.memory_space<hbm>>
      %dma_wait3A_55 = arith.constant 0 : i32
      %dma_wait3A_56 = tpu.memref_slice %arg4[%add3A_32, %dma_wait3A_55] : memref<20480x128xf32, #tpu.memory_space<hbm>> -> memref<128x128xf32, #tpu.memory_space<hbm>>
      tpu.wait_dma2 semaphore(%run_scoped3A : memref<!tpu.dma_semaphore, #tpu.memory_space<semaphore_mem>>) src(%arg6 : memref<128x128xf32, #tpu.memory_space<vmem>>) dst(%dma_wait3A_56 : memref<128x128xf32, #tpu.memory_space<hbm>>)
      tpu.yield
    }) : () -> ()
    %mul3A_39 = arith.constant 640 : i32
    %mul3A_40 = arith.muli %add3A, %mul3A_39 : i32
    %add3A_41 = arith.constant 512 : i32
    %add3A_42 = arith.addi %mul3A_40, %add3A_41 : i32
    "tpu.region"() ({
      %run_scoped3A = tpu.sem_alloc : memref<!tpu.dma_semaphore, #tpu.memory_space<semaphore_mem>>
      %dma_start3A_49 = tpu.memref_slice %arg3[%add3A_42] : memref<20480xi32, #tpu.memory_space<hbm>> -> memref<128xi32, #tpu.memory_space<hbm>>
      %dma_start3A_50 = tpu.memref_slice %arg3[%add3A_42] : memref<20480xi32, #tpu.memory_space<hbm>> -> memref<128xi32, #tpu.memory_space<hbm>>
      tpu.enqueue_dma source(%dma_start3A_50 : memref<128xi32, #tpu.memory_space<hbm>>) target(%arg5 : memref<128xi32, #tpu.memory_space<vmem>>) target_semaphore(%run_scoped3A : memref<!tpu.dma_semaphore, #tpu.memory_space<semaphore_mem>>)
      %dma_wait3A_51 = tpu.memref_slice %arg3[%add3A_42] : memref<20480xi32, #tpu.memory_space<hbm>> -> memref<128xi32, #tpu.memory_space<hbm>>
      %dma_wait3A_52 = tpu.memref_slice %arg3[%add3A_42] : memref<20480xi32, #tpu.memory_space<hbm>> -> memref<128xi32, #tpu.memory_space<hbm>>
      tpu.wait_dma2 semaphore(%run_scoped3A : memref<!tpu.dma_semaphore, #tpu.memory_space<semaphore_mem>>) src(%dma_wait3A_52 : memref<128xi32, #tpu.memory_space<hbm>>) dst(%arg5 : memref<128xi32, #tpu.memory_space<vmem>>)
      tpu.yield
    }) : () -> ()
    %dma_start3A_43 = arith.constant 0 : i32
    %dma_start3A_44 = arith.constant 0 : i32
    %dma_start3A_45 = tpu.memref_slice %arg2[%dma_start3A_43, %dma_start3A_44] : memref<100000x128xf32, #tpu.memory_space<hbm>> -> memref<100000x128xf32, #tpu.memory_space<hbm>>
    tpu.enqueue_indirect_dma source(%dma_start3A_45 : memref<100000x128xf32, #tpu.memory_space<hbm>>) target(%arg6 : memref<128x128xf32, #tpu.memory_space<vmem>>) offsets(%arg5 : memref<128xi32, #tpu.memory_space<vmem>>) semaphore(%arg7 : memref<!tpu.dma_semaphore, #tpu.memory_space<semaphore_mem>>)
    %dma_wait3A_46 = arith.constant 0 : i32
    %dma_wait3A_47 = arith.constant 0 : i32
    %dma_wait3A_48 = tpu.memref_slice %arg2[%dma_wait3A_46, %dma_wait3A_47] : memref<100000x128xf32, #tpu.memory_space<hbm>> -> memref<100000x128xf32, #tpu.memory_space<hbm>>
    tpu.wait_indirect_dma semaphore(%arg7 : memref<!tpu.dma_semaphore, #tpu.memory_space<semaphore_mem>>) src(%dma_wait3A_48 : memref<100000x128xf32, #tpu.memory_space<hbm>>) dst(%arg6 : memref<128x128xf32, #tpu.memory_space<vmem>>)
    "tpu.region"() ({
      %run_scoped3A = tpu.sem_alloc : memref<!tpu.dma_semaphore, #tpu.memory_space<semaphore_mem>>
      %dma_start3A_49 = arith.constant 0 : i32
      %dma_start3A_50 = tpu.memref_slice %arg4[%add3A_42, %dma_start3A_49] : memref<20480x128xf32, #tpu.memory_space<hbm>> -> memref<128x128xf32, #tpu.memory_space<hbm>>
      %dma_start3A_51 = arith.constant 0 : i32
      %dma_start3A_52 = tpu.memref_slice %arg4[%add3A_42, %dma_start3A_51] : memref<20480x128xf32, #tpu.memory_space<hbm>> -> memref<128x128xf32, #tpu.memory_space<hbm>>
      tpu.enqueue_dma source(%arg6 : memref<128x128xf32, #tpu.memory_space<vmem>>) target(%dma_start3A_52 : memref<128x128xf32, #tpu.memory_space<hbm>>) target_semaphore(%run_scoped3A : memref<!tpu.dma_semaphore, #tpu.memory_space<semaphore_mem>>)
      %dma_wait3A_53 = arith.constant 0 : i32
      %dma_wait3A_54 = tpu.memref_slice %arg4[%add3A_42, %dma_wait3A_53] : memref<20480x128xf32, #tpu.memory_space<hbm>> -> memref<128x128xf32, #tpu.memory_space<hbm>>
      %dma_wait3A_55 = arith.constant 0 : i32
      %dma_wait3A_56 = tpu.memref_slice %arg4[%add3A_42, %dma_wait3A_55] : memref<20480x128xf32, #tpu.memory_space<hbm>> -> memref<128x128xf32, #tpu.memory_space<hbm>>
      tpu.wait_dma2 semaphore(%run_scoped3A : memref<!tpu.dma_semaphore, #tpu.memory_space<semaphore_mem>>) src(%arg6 : memref<128x128xf32, #tpu.memory_space<vmem>>) dst(%dma_wait3A_56 : memref<128x128xf32, #tpu.memory_space<hbm>>)
      tpu.yield
    }) : () -> ()
    return
  }
}

#map = affine_map<(d0, d1) -> (0)>
#map1 = affine_map<(d0, d1) -> (0, 0)>
#map2 = affine_map<(d0, d1) -> (0, 0, 0)>
module attributes {stable_mosaic.version = 14 : i64} {
  func.func @_sc_count(%arg0: i32, %arg1: i32, %arg2: memref<320000xi32, #tpu.memory_space<hbm>>, %arg3: memref<320000xi32, #tpu.memory_space<hbm>>, %arg4: memref<320000xi32, #tpu.memory_space<hbm>>, %arg5: memref<320000xi32, #tpu.memory_space<hbm>>, %arg6: memref<16x128xf32, #tpu.memory_space<hbm>>, %arg7: memref<40x128xf32, #tpu.memory_space<hbm>>, %arg8: memref<2x640x128xf32, #tpu.memory_space<hbm>>, %arg9: memref<80xi32, #tpu.memory_space<vmem>>, %arg10: memref<80xi32, #tpu.memory_space<vmem>>, %arg11: memref<80xi32, #tpu.memory_space<vmem>>, %arg12: memref<80xi32, #tpu.memory_space<vmem>>, %arg13: memref<80x128xf32, #tpu.memory_space<vmem>>, %arg14: memref<80x128xf32, #tpu.memory_space<vmem>>, %arg15: memref<!tpu.dma_semaphore, #tpu.memory_space<semaphore_mem>>, %arg16: memref<640x128xf32, #tpu.memory_space<vmem_shared>>) attributes {dimension_semantics = [#tpu.dimension_semantics<core_parallel>, #tpu.dimension_semantics<subcore_parallel>], iteration_bounds = array<i64: 2, 16>, scalar_prefetch = 0 : i64, scratch_operands = 8 : i64, tpu.core_type = #tpu.core_type<sc_vector_subcore>, window_params = [{transform_indices = #map}, {transform_indices = #map}, {transform_indices = #map}, {transform_indices = #map}, {transform_indices = #map1}, {transform_indices = #map1}, {transform_indices = #map2}]} {
    %mul3A = arith.constant 40 : i32
    %mul3A_0 = arith.muli %arg1, %mul3A : i32
    "tpu.region"() ({
      %run_scoped3A = tpu.sem_alloc : memref<!tpu.dma_semaphore, #tpu.memory_space<semaphore_mem>>
      %dma_start3A = arith.constant 0 : i32
      %dma_start3A_10 = tpu.memref_slice %arg16[%mul3A_0, %dma_start3A] : memref<640x128xf32, #tpu.memory_space<vmem_shared>> -> memref<40x128xf32, #tpu.memory_space<vmem_shared>>
      tpu.enqueue_dma source(%arg7 : memref<40x128xf32, #tpu.memory_space<hbm>>) target(%dma_start3A_10 : memref<40x128xf32, #tpu.memory_space<vmem_shared>>) target_semaphore(%run_scoped3A : memref<!tpu.dma_semaphore, #tpu.memory_space<semaphore_mem>>)
      %dma_wait3A = arith.constant 0 : i32
      %dma_wait3A_11 = tpu.memref_slice %arg16[%mul3A_0, %dma_wait3A] : memref<640x128xf32, #tpu.memory_space<vmem_shared>> -> memref<40x128xf32, #tpu.memory_space<vmem_shared>>
      tpu.wait_dma2 semaphore(%run_scoped3A : memref<!tpu.dma_semaphore, #tpu.memory_space<semaphore_mem>>) src(%arg7 : memref<40x128xf32, #tpu.memory_space<hbm>>) dst(%dma_wait3A_11 : memref<40x128xf32, #tpu.memory_space<vmem_shared>>)
      tpu.yield
    }) : () -> ()
    %barrier3A = arith.constant 0 : index
    tpu.barrier barrier_id(%barrier3A)
    %scan3A = arith.constant 0 : i32
    %scan3A_1 = arith.constant 125 : i32
    %scan3A_2 = arith.addi %scan3A, %scan3A_1 : i32
    %scan3A_3 = arith.constant 1 : i32
    scf.for %scan3A_10 = %scan3A to %scan3A_2 step %scan3A_3  : i32 {
      %mul3A_11 = arith.constant 1 : i32
      %mul3A_12 = arith.muli %scan3A_10, %mul3A_11 : i32
      %add3A = arith.constant 0 : i32
      %add3A_13 = arith.addi %add3A, %mul3A_12 : i32
      %mul3A_14 = arith.constant 160000 : i32
      %mul3A_15 = arith.muli %arg0, %mul3A_14 : i32
      %mul3A_16 = arith.constant 10000 : i32
      %mul3A_17 = arith.muli %arg1, %mul3A_16 : i32
      %add3A_18 = arith.addi %mul3A_15, %mul3A_17 : i32
      %mul3A_19 = arith.constant 80 : i32
      %mul3A_20 = arith.muli %add3A_13, %mul3A_19 : i32
      %add3A_21 = arith.addi %add3A_18, %mul3A_20 : i32
      %dma_start3A = tpu.memref_slice %arg2[%add3A_21] : memref<320000xi32, #tpu.memory_space<hbm>> -> memref<80xi32, #tpu.memory_space<hbm>>
      %dma_start3A_22 = tpu.memref_slice %arg2[%add3A_21] : memref<320000xi32, #tpu.memory_space<hbm>> -> memref<80xi32, #tpu.memory_space<hbm>>
      tpu.enqueue_dma source(%dma_start3A_22 : memref<80xi32, #tpu.memory_space<hbm>>) target(%arg9 : memref<80xi32, #tpu.memory_space<vmem>>) target_semaphore(%arg15 : memref<!tpu.dma_semaphore, #tpu.memory_space<semaphore_mem>>)
      %dma_start3A_23 = tpu.memref_slice %arg3[%add3A_21] : memref<320000xi32, #tpu.memory_space<hbm>> -> memref<80xi32, #tpu.memory_space<hbm>>
      %dma_start3A_24 = tpu.memref_slice %arg3[%add3A_21] : memref<320000xi32, #tpu.memory_space<hbm>> -> memref<80xi32, #tpu.memory_space<hbm>>
      tpu.enqueue_dma source(%dma_start3A_24 : memref<80xi32, #tpu.memory_space<hbm>>) target(%arg10 : memref<80xi32, #tpu.memory_space<vmem>>) target_semaphore(%arg15 : memref<!tpu.dma_semaphore, #tpu.memory_space<semaphore_mem>>)
      %dma_start3A_25 = tpu.memref_slice %arg4[%add3A_21] : memref<320000xi32, #tpu.memory_space<hbm>> -> memref<80xi32, #tpu.memory_space<hbm>>
      %dma_start3A_26 = tpu.memref_slice %arg4[%add3A_21] : memref<320000xi32, #tpu.memory_space<hbm>> -> memref<80xi32, #tpu.memory_space<hbm>>
      tpu.enqueue_dma source(%dma_start3A_26 : memref<80xi32, #tpu.memory_space<hbm>>) target(%arg11 : memref<80xi32, #tpu.memory_space<vmem>>) target_semaphore(%arg15 : memref<!tpu.dma_semaphore, #tpu.memory_space<semaphore_mem>>)
      %dma_start3A_27 = tpu.memref_slice %arg5[%add3A_21] : memref<320000xi32, #tpu.memory_space<hbm>> -> memref<80xi32, #tpu.memory_space<hbm>>
      %dma_start3A_28 = tpu.memref_slice %arg5[%add3A_21] : memref<320000xi32, #tpu.memory_space<hbm>> -> memref<80xi32, #tpu.memory_space<hbm>>
      tpu.enqueue_dma source(%dma_start3A_28 : memref<80xi32, #tpu.memory_space<hbm>>) target(%arg12 : memref<80xi32, #tpu.memory_space<vmem>>) target_semaphore(%arg15 : memref<!tpu.dma_semaphore, #tpu.memory_space<semaphore_mem>>)
      %dma_wait3A = tpu.memref_slice %arg2[%add3A_21] : memref<320000xi32, #tpu.memory_space<hbm>> -> memref<80xi32, #tpu.memory_space<hbm>>
      %dma_wait3A_29 = tpu.memref_slice %arg2[%add3A_21] : memref<320000xi32, #tpu.memory_space<hbm>> -> memref<80xi32, #tpu.memory_space<hbm>>
      tpu.wait_dma2 semaphore(%arg15 : memref<!tpu.dma_semaphore, #tpu.memory_space<semaphore_mem>>) src(%dma_wait3A_29 : memref<80xi32, #tpu.memory_space<hbm>>) dst(%arg9 : memref<80xi32, #tpu.memory_space<vmem>>)
      %dma_wait3A_30 = tpu.memref_slice %arg3[%add3A_21] : memref<320000xi32, #tpu.memory_space<hbm>> -> memref<80xi32, #tpu.memory_space<hbm>>
      %dma_wait3A_31 = tpu.memref_slice %arg3[%add3A_21] : memref<320000xi32, #tpu.memory_space<hbm>> -> memref<80xi32, #tpu.memory_space<hbm>>
      tpu.wait_dma2 semaphore(%arg15 : memref<!tpu.dma_semaphore, #tpu.memory_space<semaphore_mem>>) src(%dma_wait3A_31 : memref<80xi32, #tpu.memory_space<hbm>>) dst(%arg10 : memref<80xi32, #tpu.memory_space<vmem>>)
      %dma_wait3A_32 = tpu.memref_slice %arg4[%add3A_21] : memref<320000xi32, #tpu.memory_space<hbm>> -> memref<80xi32, #tpu.memory_space<hbm>>
      %dma_wait3A_33 = tpu.memref_slice %arg4[%add3A_21] : memref<320000xi32, #tpu.memory_space<hbm>> -> memref<80xi32, #tpu.memory_space<hbm>>
      tpu.wait_dma2 semaphore(%arg15 : memref<!tpu.dma_semaphore, #tpu.memory_space<semaphore_mem>>) src(%dma_wait3A_33 : memref<80xi32, #tpu.memory_space<hbm>>) dst(%arg11 : memref<80xi32, #tpu.memory_space<vmem>>)
      %dma_wait3A_34 = tpu.memref_slice %arg5[%add3A_21] : memref<320000xi32, #tpu.memory_space<hbm>> -> memref<80xi32, #tpu.memory_space<hbm>>
      %dma_wait3A_35 = tpu.memref_slice %arg5[%add3A_21] : memref<320000xi32, #tpu.memory_space<hbm>> -> memref<80xi32, #tpu.memory_space<hbm>>
      tpu.wait_dma2 semaphore(%arg15 : memref<!tpu.dma_semaphore, #tpu.memory_space<semaphore_mem>>) src(%dma_wait3A_35 : memref<80xi32, #tpu.memory_space<hbm>>) dst(%arg12 : memref<80xi32, #tpu.memory_space<vmem>>)
      %dma_start3A_36 = arith.constant 0 : i32
      %dma_start3A_37 = arith.constant 0 : i32
      %dma_start3A_38 = tpu.memref_slice %arg6[%dma_start3A_36, %dma_start3A_37] : memref<16x128xf32, #tpu.memory_space<hbm>> -> memref<16x128xf32, #tpu.memory_space<hbm>>
      tpu.enqueue_indirect_dma source(%dma_start3A_38 : memref<16x128xf32, #tpu.memory_space<hbm>>) target(%arg13 : memref<80x128xf32, #tpu.memory_space<vmem>>) offsets(%arg10 : memref<80xi32, #tpu.memory_space<vmem>>) semaphore(%arg15 : memref<!tpu.dma_semaphore, #tpu.memory_space<semaphore_mem>>)
      %dma_start3A_39 = arith.constant 0 : i32
      %dma_start3A_40 = arith.constant 0 : i32
      %dma_start3A_41 = tpu.memref_slice %arg6[%dma_start3A_39, %dma_start3A_40] : memref<16x128xf32, #tpu.memory_space<hbm>> -> memref<16x128xf32, #tpu.memory_space<hbm>>
      tpu.enqueue_indirect_dma source(%dma_start3A_41 : memref<16x128xf32, #tpu.memory_space<hbm>>) target(%arg14 : memref<80x128xf32, #tpu.memory_space<vmem>>) offsets(%arg12 : memref<80xi32, #tpu.memory_space<vmem>>) semaphore(%arg15 : memref<!tpu.dma_semaphore, #tpu.memory_space<semaphore_mem>>)
      %dma_wait3A_42 = arith.constant 0 : i32
      %dma_wait3A_43 = arith.constant 0 : i32
      %dma_wait3A_44 = tpu.memref_slice %arg6[%dma_wait3A_42, %dma_wait3A_43] : memref<16x128xf32, #tpu.memory_space<hbm>> -> memref<16x128xf32, #tpu.memory_space<hbm>>
      tpu.wait_indirect_dma semaphore(%arg15 : memref<!tpu.dma_semaphore, #tpu.memory_space<semaphore_mem>>) src(%dma_wait3A_44 : memref<16x128xf32, #tpu.memory_space<hbm>>) dst(%arg13 : memref<80x128xf32, #tpu.memory_space<vmem>>)
      %dma_wait3A_45 = arith.constant 0 : i32
      %dma_wait3A_46 = arith.constant 0 : i32
      %dma_wait3A_47 = tpu.memref_slice %arg6[%dma_wait3A_45, %dma_wait3A_46] : memref<16x128xf32, #tpu.memory_space<hbm>> -> memref<16x128xf32, #tpu.memory_space<hbm>>
      tpu.wait_indirect_dma semaphore(%arg15 : memref<!tpu.dma_semaphore, #tpu.memory_space<semaphore_mem>>) src(%dma_wait3A_47 : memref<16x128xf32, #tpu.memory_space<hbm>>) dst(%arg14 : memref<80x128xf32, #tpu.memory_space<vmem>>)
      %dma_start3A_48 = arith.constant 0 : i32
      %dma_start3A_49 = arith.constant 0 : i32
      %dma_start3A_50 = tpu.memref_slice %arg16[%dma_start3A_48, %dma_start3A_49] : memref<640x128xf32, #tpu.memory_space<vmem_shared>> -> memref<640x128xf32, #tpu.memory_space<vmem_shared>>
      tpu.enqueue_indirect_dma source(%arg13 : memref<80x128xf32, #tpu.memory_space<vmem>>) target(%dma_start3A_50 : memref<640x128xf32, #tpu.memory_space<vmem_shared>>) offsets(%arg9 : memref<80xi32, #tpu.memory_space<vmem>>) semaphore(%arg15 : memref<!tpu.dma_semaphore, #tpu.memory_space<semaphore_mem>>) {add = true}
      %dma_start3A_51 = arith.constant 0 : i32
      %dma_start3A_52 = arith.constant 0 : i32
      %dma_start3A_53 = tpu.memref_slice %arg16[%dma_start3A_51, %dma_start3A_52] : memref<640x128xf32, #tpu.memory_space<vmem_shared>> -> memref<640x128xf32, #tpu.memory_space<vmem_shared>>
      tpu.enqueue_indirect_dma source(%arg14 : memref<80x128xf32, #tpu.memory_space<vmem>>) target(%dma_start3A_53 : memref<640x128xf32, #tpu.memory_space<vmem_shared>>) offsets(%arg11 : memref<80xi32, #tpu.memory_space<vmem>>) semaphore(%arg15 : memref<!tpu.dma_semaphore, #tpu.memory_space<semaphore_mem>>) {add = true}
      %dma_wait3A_54 = arith.constant 0 : i32
      %dma_wait3A_55 = arith.constant 0 : i32
      %dma_wait3A_56 = tpu.memref_slice %arg16[%dma_wait3A_54, %dma_wait3A_55] : memref<640x128xf32, #tpu.memory_space<vmem_shared>> -> memref<640x128xf32, #tpu.memory_space<vmem_shared>>
      tpu.wait_indirect_dma semaphore(%arg15 : memref<!tpu.dma_semaphore, #tpu.memory_space<semaphore_mem>>) src(%arg13 : memref<80x128xf32, #tpu.memory_space<vmem>>) dst(%dma_wait3A_56 : memref<640x128xf32, #tpu.memory_space<vmem_shared>>)
      %dma_wait3A_57 = arith.constant 0 : i32
      %dma_wait3A_58 = arith.constant 0 : i32
      %dma_wait3A_59 = tpu.memref_slice %arg16[%dma_wait3A_57, %dma_wait3A_58] : memref<640x128xf32, #tpu.memory_space<vmem_shared>> -> memref<640x128xf32, #tpu.memory_space<vmem_shared>>
      tpu.wait_indirect_dma semaphore(%arg15 : memref<!tpu.dma_semaphore, #tpu.memory_space<semaphore_mem>>) src(%arg14 : memref<80x128xf32, #tpu.memory_space<vmem>>) dst(%dma_wait3A_59 : memref<640x128xf32, #tpu.memory_space<vmem_shared>>)
    }
    %scan3A_4 = arith.constant 125 : i32
    %barrier3A_5 = arith.constant 0 : index
    tpu.barrier barrier_id(%barrier3A_5)
    %mul3A_6 = arith.constant 40 : i32
    %mul3A_7 = arith.muli %arg1, %mul3A_6 : i32
    %mul3A_8 = arith.constant 40 : i32
    %mul3A_9 = arith.muli %arg1, %mul3A_8 : i32
    "tpu.region"() ({
      %run_scoped3A = tpu.sem_alloc : memref<!tpu.dma_semaphore, #tpu.memory_space<semaphore_mem>>
      %dma_start3A = arith.constant 0 : i32
      %dma_start3A_10 = tpu.memref_slice %arg8[%arg0, %mul3A_9, %dma_start3A] : memref<2x640x128xf32, #tpu.memory_space<hbm>> -> memref<1x40x128xf32, #tpu.memory_space<hbm>>
      %dma_start3A_11 = tpu.memref_squeeze %dma_start3A_10 : memref<1x40x128xf32, #tpu.memory_space<hbm>> -> memref<40x128xf32, #tpu.memory_space<hbm>>
      %dma_start3A_12 = arith.constant 0 : i32
      %dma_start3A_13 = tpu.memref_slice %arg16[%mul3A_7, %dma_start3A_12] : memref<640x128xf32, #tpu.memory_space<vmem_shared>> -> memref<40x128xf32, #tpu.memory_space<vmem_shared>>
      tpu.enqueue_dma source(%dma_start3A_13 : memref<40x128xf32, #tpu.memory_space<vmem_shared>>) target(%dma_start3A_11 : memref<40x128xf32, #tpu.memory_space<hbm>>) target_semaphore(%run_scoped3A : memref<!tpu.dma_semaphore, #tpu.memory_space<semaphore_mem>>)
      %dma_wait3A = arith.constant 0 : i32
      %dma_wait3A_14 = tpu.memref_slice %arg8[%arg0, %mul3A_9, %dma_wait3A] : memref<2x640x128xf32, #tpu.memory_space<hbm>> -> memref<1x40x128xf32, #tpu.memory_space<hbm>>
      %dma_wait3A_15 = tpu.memref_squeeze %dma_wait3A_14 : memref<1x40x128xf32, #tpu.memory_space<hbm>> -> memref<40x128xf32, #tpu.memory_space<hbm>>
      %dma_wait3A_16 = arith.constant 0 : i32
      %dma_wait3A_17 = tpu.memref_slice %arg16[%mul3A_7, %dma_wait3A_16] : memref<640x128xf32, #tpu.memory_space<vmem_shared>> -> memref<40x128xf32, #tpu.memory_space<vmem_shared>>
      tpu.wait_dma2 semaphore(%run_scoped3A : memref<!tpu.dma_semaphore, #tpu.memory_space<semaphore_mem>>) src(%dma_wait3A_17 : memref<40x128xf32, #tpu.memory_space<vmem_shared>>) dst(%dma_wait3A_15 : memref<40x128xf32, #tpu.memory_space<hbm>>)
      tpu.yield
    }) : () -> ()
    return
  }
}

#map = affine_map<(d0, d1) -> (0, 0)>
#map1 = affine_map<(d0, d1) -> (0)>
#map2 = affine_map<(d0, d1) -> (0, 0, 0)>
module attributes {stable_mosaic.version = 14 : i64} {
  func.func @_sc_assemble(%arg0: i32, %arg1: i32, %arg2: memref<20000x128xf32, #tpu.memory_space<hbm>>, %arg3: memref<40x128xf32, #tpu.memory_space<hbm>>, %arg4: memref<320000xi32, #tpu.memory_space<hbm>>, %arg5: memref<320000xi32, #tpu.memory_space<hbm>>, %arg6: memref<320000xi32, #tpu.memory_space<hbm>>, %arg7: memref<2x160000x384xf32, #tpu.memory_space<hbm>>, %arg8: memref<80xi32, #tpu.memory_space<vmem>>, %arg9: memref<80xi32, #tpu.memory_space<vmem>>, %arg10: memref<80xi32, #tpu.memory_space<vmem>>, %arg11: memref<80x128xf32, #tpu.memory_space<vmem>>, %arg12: memref<80x128xf32, #tpu.memory_space<vmem>>, %arg13: memref<80x128xf32, #tpu.memory_space<vmem>>, %arg14: memref<!tpu.dma_semaphore, #tpu.memory_space<semaphore_mem>>) attributes {dimension_semantics = [#tpu.dimension_semantics<core_parallel>, #tpu.dimension_semantics<subcore_parallel>], iteration_bounds = array<i64: 2, 16>, scalar_prefetch = 0 : i64, scratch_operands = 7 : i64, tpu.core_type = #tpu.core_type<sc_vector_subcore>, window_params = [{transform_indices = #map}, {transform_indices = #map}, {transform_indices = #map1}, {transform_indices = #map1}, {transform_indices = #map1}, {transform_indices = #map2}]} {
    %scan3A = arith.constant 0 : i32
    %scan3A_0 = arith.constant 125 : i32
    %scan3A_1 = arith.addi %scan3A, %scan3A_0 : i32
    %scan3A_2 = arith.constant 1 : i32
    scf.for %scan3A_4 = %scan3A to %scan3A_1 step %scan3A_2  : i32 {
      %mul3A = arith.constant 1 : i32
      %mul3A_5 = arith.muli %scan3A_4, %mul3A : i32
      %add3A = arith.constant 0 : i32
      %add3A_6 = arith.addi %add3A, %mul3A_5 : i32
      %mul3A_7 = arith.constant 10000 : i32
      %mul3A_8 = arith.muli %arg1, %mul3A_7 : i32
      %mul3A_9 = arith.constant 80 : i32
      %mul3A_10 = arith.muli %add3A_6, %mul3A_9 : i32
      %add3A_11 = arith.addi %mul3A_8, %mul3A_10 : i32
      %mul3A_12 = arith.constant 160000 : i32
      %mul3A_13 = arith.muli %arg0, %mul3A_12 : i32
      %add3A_14 = arith.addi %mul3A_13, %add3A_11 : i32
      %dma_start3A = tpu.memref_slice %arg4[%add3A_14] : memref<320000xi32, #tpu.memory_space<hbm>> -> memref<80xi32, #tpu.memory_space<hbm>>
      %dma_start3A_15 = tpu.memref_slice %arg4[%add3A_14] : memref<320000xi32, #tpu.memory_space<hbm>> -> memref<80xi32, #tpu.memory_space<hbm>>
      tpu.enqueue_dma source(%dma_start3A_15 : memref<80xi32, #tpu.memory_space<hbm>>) target(%arg8 : memref<80xi32, #tpu.memory_space<vmem>>) target_semaphore(%arg14 : memref<!tpu.dma_semaphore, #tpu.memory_space<semaphore_mem>>)
      %dma_start3A_16 = tpu.memref_slice %arg5[%add3A_14] : memref<320000xi32, #tpu.memory_space<hbm>> -> memref<80xi32, #tpu.memory_space<hbm>>
      %dma_start3A_17 = tpu.memref_slice %arg5[%add3A_14] : memref<320000xi32, #tpu.memory_space<hbm>> -> memref<80xi32, #tpu.memory_space<hbm>>
      tpu.enqueue_dma source(%dma_start3A_17 : memref<80xi32, #tpu.memory_space<hbm>>) target(%arg9 : memref<80xi32, #tpu.memory_space<vmem>>) target_semaphore(%arg14 : memref<!tpu.dma_semaphore, #tpu.memory_space<semaphore_mem>>)
      %dma_start3A_18 = tpu.memref_slice %arg6[%add3A_14] : memref<320000xi32, #tpu.memory_space<hbm>> -> memref<80xi32, #tpu.memory_space<hbm>>
      %dma_start3A_19 = tpu.memref_slice %arg6[%add3A_14] : memref<320000xi32, #tpu.memory_space<hbm>> -> memref<80xi32, #tpu.memory_space<hbm>>
      tpu.enqueue_dma source(%dma_start3A_19 : memref<80xi32, #tpu.memory_space<hbm>>) target(%arg10 : memref<80xi32, #tpu.memory_space<vmem>>) target_semaphore(%arg14 : memref<!tpu.dma_semaphore, #tpu.memory_space<semaphore_mem>>)
      %dma_wait3A = tpu.memref_slice %arg4[%add3A_14] : memref<320000xi32, #tpu.memory_space<hbm>> -> memref<80xi32, #tpu.memory_space<hbm>>
      %dma_wait3A_20 = tpu.memref_slice %arg4[%add3A_14] : memref<320000xi32, #tpu.memory_space<hbm>> -> memref<80xi32, #tpu.memory_space<hbm>>
      tpu.wait_dma2 semaphore(%arg14 : memref<!tpu.dma_semaphore, #tpu.memory_space<semaphore_mem>>) src(%dma_wait3A_20 : memref<80xi32, #tpu.memory_space<hbm>>) dst(%arg8 : memref<80xi32, #tpu.memory_space<vmem>>)
      %dma_wait3A_21 = tpu.memref_slice %arg5[%add3A_14] : memref<320000xi32, #tpu.memory_space<hbm>> -> memref<80xi32, #tpu.memory_space<hbm>>
      %dma_wait3A_22 = tpu.memref_slice %arg5[%add3A_14] : memref<320000xi32, #tpu.memory_space<hbm>> -> memref<80xi32, #tpu.memory_space<hbm>>
      tpu.wait_dma2 semaphore(%arg14 : memref<!tpu.dma_semaphore, #tpu.memory_space<semaphore_mem>>) src(%dma_wait3A_22 : memref<80xi32, #tpu.memory_space<hbm>>) dst(%arg9 : memref<80xi32, #tpu.memory_space<vmem>>)
      %dma_wait3A_23 = tpu.memref_slice %arg6[%add3A_14] : memref<320000xi32, #tpu.memory_space<hbm>> -> memref<80xi32, #tpu.memory_space<hbm>>
      %dma_wait3A_24 = tpu.memref_slice %arg6[%add3A_14] : memref<320000xi32, #tpu.memory_space<hbm>> -> memref<80xi32, #tpu.memory_space<hbm>>
      tpu.wait_dma2 semaphore(%arg14 : memref<!tpu.dma_semaphore, #tpu.memory_space<semaphore_mem>>) src(%dma_wait3A_24 : memref<80xi32, #tpu.memory_space<hbm>>) dst(%arg10 : memref<80xi32, #tpu.memory_space<vmem>>)
      %dma_start3A_25 = arith.constant 0 : i32
      %dma_start3A_26 = arith.constant 0 : i32
      %dma_start3A_27 = tpu.memref_slice %arg2[%dma_start3A_25, %dma_start3A_26] : memref<20000x128xf32, #tpu.memory_space<hbm>> -> memref<20000x128xf32, #tpu.memory_space<hbm>>
      tpu.enqueue_indirect_dma source(%dma_start3A_27 : memref<20000x128xf32, #tpu.memory_space<hbm>>) target(%arg11 : memref<80x128xf32, #tpu.memory_space<vmem>>) offsets(%arg8 : memref<80xi32, #tpu.memory_space<vmem>>) semaphore(%arg14 : memref<!tpu.dma_semaphore, #tpu.memory_space<semaphore_mem>>)
      %dma_start3A_28 = arith.constant 0 : i32
      %dma_start3A_29 = arith.constant 0 : i32
      %dma_start3A_30 = tpu.memref_slice %arg3[%dma_start3A_28, %dma_start3A_29] : memref<40x128xf32, #tpu.memory_space<hbm>> -> memref<40x128xf32, #tpu.memory_space<hbm>>
      tpu.enqueue_indirect_dma source(%dma_start3A_30 : memref<40x128xf32, #tpu.memory_space<hbm>>) target(%arg12 : memref<80x128xf32, #tpu.memory_space<vmem>>) offsets(%arg10 : memref<80xi32, #tpu.memory_space<vmem>>) semaphore(%arg14 : memref<!tpu.dma_semaphore, #tpu.memory_space<semaphore_mem>>)
      %dma_start3A_31 = arith.constant 0 : i32
      %dma_start3A_32 = arith.constant 0 : i32
      %dma_start3A_33 = tpu.memref_slice %arg2[%dma_start3A_31, %dma_start3A_32] : memref<20000x128xf32, #tpu.memory_space<hbm>> -> memref<20000x128xf32, #tpu.memory_space<hbm>>
      tpu.enqueue_indirect_dma source(%dma_start3A_33 : memref<20000x128xf32, #tpu.memory_space<hbm>>) target(%arg13 : memref<80x128xf32, #tpu.memory_space<vmem>>) offsets(%arg9 : memref<80xi32, #tpu.memory_space<vmem>>) semaphore(%arg14 : memref<!tpu.dma_semaphore, #tpu.memory_space<semaphore_mem>>)
      %dma_wait3A_34 = arith.constant 0 : i32
      %dma_wait3A_35 = arith.constant 0 : i32
      %dma_wait3A_36 = tpu.memref_slice %arg2[%dma_wait3A_34, %dma_wait3A_35] : memref<20000x128xf32, #tpu.memory_space<hbm>> -> memref<20000x128xf32, #tpu.memory_space<hbm>>
      tpu.wait_indirect_dma semaphore(%arg14 : memref<!tpu.dma_semaphore, #tpu.memory_space<semaphore_mem>>) src(%dma_wait3A_36 : memref<20000x128xf32, #tpu.memory_space<hbm>>) dst(%arg11 : memref<80x128xf32, #tpu.memory_space<vmem>>)
      %dma_wait3A_37 = arith.constant 0 : i32
      %dma_wait3A_38 = arith.constant 0 : i32
      %dma_wait3A_39 = tpu.memref_slice %arg3[%dma_wait3A_37, %dma_wait3A_38] : memref<40x128xf32, #tpu.memory_space<hbm>> -> memref<40x128xf32, #tpu.memory_space<hbm>>
      tpu.wait_indirect_dma semaphore(%arg14 : memref<!tpu.dma_semaphore, #tpu.memory_space<semaphore_mem>>) src(%dma_wait3A_39 : memref<40x128xf32, #tpu.memory_space<hbm>>) dst(%arg12 : memref<80x128xf32, #tpu.memory_space<vmem>>)
      %dma_wait3A_40 = arith.constant 0 : i32
      %dma_wait3A_41 = arith.constant 0 : i32
      %dma_wait3A_42 = tpu.memref_slice %arg2[%dma_wait3A_40, %dma_wait3A_41] : memref<20000x128xf32, #tpu.memory_space<hbm>> -> memref<20000x128xf32, #tpu.memory_space<hbm>>
      tpu.wait_indirect_dma semaphore(%arg14 : memref<!tpu.dma_semaphore, #tpu.memory_space<semaphore_mem>>) src(%dma_wait3A_42 : memref<20000x128xf32, #tpu.memory_space<hbm>>) dst(%arg13 : memref<80x128xf32, #tpu.memory_space<vmem>>)
      %dma_start3A_43 = arith.constant 0 : i32
      %dma_start3A_44 = tpu.memref_slice %arg7[%arg0, %add3A_11, %dma_start3A_43] : memref<2x160000x384xf32, #tpu.memory_space<hbm>> -> memref<1x80x128xf32, #tpu.memory_space<hbm>>
      %dma_start3A_45 = tpu.memref_squeeze %dma_start3A_44 : memref<1x80x128xf32, #tpu.memory_space<hbm>> -> memref<80x128xf32, #tpu.memory_space<hbm>>
      %dma_start3A_46 = arith.constant 0 : i32
      %dma_start3A_47 = tpu.memref_slice %arg7[%arg0, %add3A_11, %dma_start3A_46] : memref<2x160000x384xf32, #tpu.memory_space<hbm>> -> memref<1x80x128xf32, #tpu.memory_space<hbm>>
      %dma_start3A_48 = tpu.memref_squeeze %dma_start3A_47 : memref<1x80x128xf32, #tpu.memory_space<hbm>> -> memref<80x128xf32, #tpu.memory_space<hbm>>
      tpu.enqueue_dma source(%arg11 : memref<80x128xf32, #tpu.memory_space<vmem>>) target(%dma_start3A_48 : memref<80x128xf32, #tpu.memory_space<hbm>>) target_semaphore(%arg14 : memref<!tpu.dma_semaphore, #tpu.memory_space<semaphore_mem>>)
      %dma_start3A_49 = arith.constant 128 : i32
      %dma_start3A_50 = tpu.memref_slice %arg7[%arg0, %add3A_11, %dma_start3A_49] : memref<2x160000x384xf32, #tpu.memory_space<hbm>> -> memref<1x80x128xf32, #tpu.memory_space<hbm>>
      %dma_start3A_51 = tpu.memref_squeeze %dma_start3A_50 : memref<1x80x128xf32, #tpu.memory_space<hbm>> -> memref<80x128xf32, #tpu.memory_space<hbm>>
      %dma_start3A_52 = arith.constant 128 : i32
      %dma_start3A_53 = tpu.memref_slice %arg7[%arg0, %add3A_11, %dma_start3A_52] : memref<2x160000x384xf32, #tpu.memory_space<hbm>> -> memref<1x80x128xf32, #tpu.memory_space<hbm>>
      %dma_start3A_54 = tpu.memref_squeeze %dma_start3A_53 : memref<1x80x128xf32, #tpu.memory_space<hbm>> -> memref<80x128xf32, #tpu.memory_space<hbm>>
      tpu.enqueue_dma source(%arg12 : memref<80x128xf32, #tpu.memory_space<vmem>>) target(%dma_start3A_54 : memref<80x128xf32, #tpu.memory_space<hbm>>) target_semaphore(%arg14 : memref<!tpu.dma_semaphore, #tpu.memory_space<semaphore_mem>>)
      %dma_start3A_55 = arith.constant 256 : i32
      %dma_start3A_56 = tpu.memref_slice %arg7[%arg0, %add3A_11, %dma_start3A_55] : memref<2x160000x384xf32, #tpu.memory_space<hbm>> -> memref<1x80x128xf32, #tpu.memory_space<hbm>>
      %dma_start3A_57 = tpu.memref_squeeze %dma_start3A_56 : memref<1x80x128xf32, #tpu.memory_space<hbm>> -> memref<80x128xf32, #tpu.memory_space<hbm>>
      %dma_start3A_58 = arith.constant 256 : i32
      %dma_start3A_59 = tpu.memref_slice %arg7[%arg0, %add3A_11, %dma_start3A_58] : memref<2x160000x384xf32, #tpu.memory_space<hbm>> -> memref<1x80x128xf32, #tpu.memory_space<hbm>>
      %dma_start3A_60 = tpu.memref_squeeze %dma_start3A_59 : memref<1x80x128xf32, #tpu.memory_space<hbm>> -> memref<80x128xf32, #tpu.memory_space<hbm>>
      tpu.enqueue_dma source(%arg13 : memref<80x128xf32, #tpu.memory_space<vmem>>) target(%dma_start3A_60 : memref<80x128xf32, #tpu.memory_space<hbm>>) target_semaphore(%arg14 : memref<!tpu.dma_semaphore, #tpu.memory_space<semaphore_mem>>)
      %dma_wait3A_61 = arith.constant 0 : i32
      %dma_wait3A_62 = tpu.memref_slice %arg7[%arg0, %add3A_11, %dma_wait3A_61] : memref<2x160000x384xf32, #tpu.memory_space<hbm>> -> memref<1x80x128xf32, #tpu.memory_space<hbm>>
      %dma_wait3A_63 = tpu.memref_squeeze %dma_wait3A_62 : memref<1x80x128xf32, #tpu.memory_space<hbm>> -> memref<80x128xf32, #tpu.memory_space<hbm>>
      %dma_wait3A_64 = arith.constant 0 : i32
      %dma_wait3A_65 = tpu.memref_slice %arg7[%arg0, %add3A_11, %dma_wait3A_64] : memref<2x160000x384xf32, #tpu.memory_space<hbm>> -> memref<1x80x128xf32, #tpu.memory_space<hbm>>
      %dma_wait3A_66 = tpu.memref_squeeze %dma_wait3A_65 : memref<1x80x128xf32, #tpu.memory_space<hbm>> -> memref<80x128xf32, #tpu.memory_space<hbm>>
      tpu.wait_dma2 semaphore(%arg14 : memref<!tpu.dma_semaphore, #tpu.memory_space<semaphore_mem>>) src(%arg11 : memref<80x128xf32, #tpu.memory_space<vmem>>) dst(%dma_wait3A_66 : memref<80x128xf32, #tpu.memory_space<hbm>>)
      %dma_wait3A_67 = arith.constant 128 : i32
      %dma_wait3A_68 = tpu.memref_slice %arg7[%arg0, %add3A_11, %dma_wait3A_67] : memref<2x160000x384xf32, #tpu.memory_space<hbm>> -> memref<1x80x128xf32, #tpu.memory_space<hbm>>
      %dma_wait3A_69 = tpu.memref_squeeze %dma_wait3A_68 : memref<1x80x128xf32, #tpu.memory_space<hbm>> -> memref<80x128xf32, #tpu.memory_space<hbm>>
      %dma_wait3A_70 = arith.constant 128 : i32
      %dma_wait3A_71 = tpu.memref_slice %arg7[%arg0, %add3A_11, %dma_wait3A_70] : memref<2x160000x384xf32, #tpu.memory_space<hbm>> -> memref<1x80x128xf32, #tpu.memory_space<hbm>>
      %dma_wait3A_72 = tpu.memref_squeeze %dma_wait3A_71 : memref<1x80x128xf32, #tpu.memory_space<hbm>> -> memref<80x128xf32, #tpu.memory_space<hbm>>
      tpu.wait_dma2 semaphore(%arg14 : memref<!tpu.dma_semaphore, #tpu.memory_space<semaphore_mem>>) src(%arg12 : memref<80x128xf32, #tpu.memory_space<vmem>>) dst(%dma_wait3A_72 : memref<80x128xf32, #tpu.memory_space<hbm>>)
      %dma_wait3A_73 = arith.constant 256 : i32
      %dma_wait3A_74 = tpu.memref_slice %arg7[%arg0, %add3A_11, %dma_wait3A_73] : memref<2x160000x384xf32, #tpu.memory_space<hbm>> -> memref<1x80x128xf32, #tpu.memory_space<hbm>>
      %dma_wait3A_75 = tpu.memref_squeeze %dma_wait3A_74 : memref<1x80x128xf32, #tpu.memory_space<hbm>> -> memref<80x128xf32, #tpu.memory_space<hbm>>
      %dma_wait3A_76 = arith.constant 256 : i32
      %dma_wait3A_77 = tpu.memref_slice %arg7[%arg0, %add3A_11, %dma_wait3A_76] : memref<2x160000x384xf32, #tpu.memory_space<hbm>> -> memref<1x80x128xf32, #tpu.memory_space<hbm>>
      %dma_wait3A_78 = tpu.memref_squeeze %dma_wait3A_77 : memref<1x80x128xf32, #tpu.memory_space<hbm>> -> memref<80x128xf32, #tpu.memory_space<hbm>>
      tpu.wait_dma2 semaphore(%arg14 : memref<!tpu.dma_semaphore, #tpu.memory_space<semaphore_mem>>) src(%arg13 : memref<80x128xf32, #tpu.memory_space<vmem>>) dst(%dma_wait3A_78 : memref<80x128xf32, #tpu.memory_space<hbm>>)
    }
    %scan3A_3 = arith.constant 125 : i32
    return
  }
}

#map = affine_map<(d0, d1) -> (0, 0)>
#map1 = affine_map<(d0, d1) -> (0)>
#map2 = affine_map<(d0, d1) -> (0, 0, 0)>
module attributes {stable_mosaic.version = 14 : i64} {
  func.func @_sc_aggregate(%arg0: i32, %arg1: i32, %arg2: memref<20480x128xf32, #tpu.memory_space<hbm>>, %arg3: memref<320000xi32, #tpu.memory_space<hbm>>, %arg4: memref<320000xi32, #tpu.memory_space<hbm>>, %arg5: memref<320000xi32, #tpu.memory_space<hbm>>, %arg6: memref<320000xi32, #tpu.memory_space<hbm>>, %arg7: memref<320000xi32, #tpu.memory_space<hbm>>, %arg8: memref<40x128xf32, #tpu.memory_space<hbm>>, %arg9: memref<640x128xf32, #tpu.memory_space<hbm>>, %arg10: memref<2x10240x128xf32, #tpu.memory_space<hbm>>, %arg11: memref<80xi32, #tpu.memory_space<vmem>>, %arg12: memref<80xi32, #tpu.memory_space<vmem>>, %arg13: memref<80xi32, #tpu.memory_space<vmem>>, %arg14: memref<80xi32, #tpu.memory_space<vmem>>, %arg15: memref<80xi32, #tpu.memory_space<vmem>>, %arg16: memref<80x128xf32, #tpu.memory_space<vmem>>, %arg17: memref<80x128xf32, #tpu.memory_space<vmem>>, %arg18: memref<80x128xf32, #tpu.memory_space<vmem>>, %arg19: memref<!tpu.dma_semaphore, #tpu.memory_space<semaphore_mem>>, %arg20: memref<10240x128xf32, #tpu.memory_space<vmem_shared>>) attributes {dimension_semantics = [#tpu.dimension_semantics<core_parallel>, #tpu.dimension_semantics<subcore_parallel>], iteration_bounds = array<i64: 2, 16>, scalar_prefetch = 0 : i64, scratch_operands = 10 : i64, tpu.core_type = #tpu.core_type<sc_vector_subcore>, window_params = [{transform_indices = #map}, {transform_indices = #map1}, {transform_indices = #map1}, {transform_indices = #map1}, {transform_indices = #map1}, {transform_indices = #map1}, {transform_indices = #map}, {transform_indices = #map}, {transform_indices = #map2}]} {
    %mul3A = arith.constant 640 : i32
    %mul3A_0 = arith.muli %arg1, %mul3A : i32
    "tpu.region"() ({
      %run_scoped3A = tpu.sem_alloc : memref<!tpu.dma_semaphore, #tpu.memory_space<semaphore_mem>>
      %dma_start3A = arith.constant 0 : i32
      %dma_start3A_10 = tpu.memref_slice %arg20[%mul3A_0, %dma_start3A] : memref<10240x128xf32, #tpu.memory_space<vmem_shared>> -> memref<640x128xf32, #tpu.memory_space<vmem_shared>>
      tpu.enqueue_dma source(%arg9 : memref<640x128xf32, #tpu.memory_space<hbm>>) target(%dma_start3A_10 : memref<640x128xf32, #tpu.memory_space<vmem_shared>>) target_semaphore(%run_scoped3A : memref<!tpu.dma_semaphore, #tpu.memory_space<semaphore_mem>>)
      %dma_wait3A = arith.constant 0 : i32
      %dma_wait3A_11 = tpu.memref_slice %arg20[%mul3A_0, %dma_wait3A] : memref<10240x128xf32, #tpu.memory_space<vmem_shared>> -> memref<640x128xf32, #tpu.memory_space<vmem_shared>>
      tpu.wait_dma2 semaphore(%run_scoped3A : memref<!tpu.dma_semaphore, #tpu.memory_space<semaphore_mem>>) src(%arg9 : memref<640x128xf32, #tpu.memory_space<hbm>>) dst(%dma_wait3A_11 : memref<640x128xf32, #tpu.memory_space<vmem_shared>>)
      tpu.yield
    }) : () -> ()
    %barrier3A = arith.constant 0 : index
    tpu.barrier barrier_id(%barrier3A)
    %scan3A = arith.constant 0 : i32
    %scan3A_1 = arith.constant 125 : i32
    %scan3A_2 = arith.addi %scan3A, %scan3A_1 : i32
    %scan3A_3 = arith.constant 1 : i32
    scf.for %scan3A_10 = %scan3A to %scan3A_2 step %scan3A_3  : i32 {
      %mul3A_11 = arith.constant 1 : i32
      %mul3A_12 = arith.muli %scan3A_10, %mul3A_11 : i32
      %add3A = arith.constant 0 : i32
      %add3A_13 = arith.addi %add3A, %mul3A_12 : i32
      %mul3A_14 = arith.constant 160000 : i32
      %mul3A_15 = arith.muli %arg0, %mul3A_14 : i32
      %mul3A_16 = arith.constant 10000 : i32
      %mul3A_17 = arith.muli %arg1, %mul3A_16 : i32
      %add3A_18 = arith.addi %mul3A_15, %mul3A_17 : i32
      %mul3A_19 = arith.constant 80 : i32
      %mul3A_20 = arith.muli %add3A_13, %mul3A_19 : i32
      %add3A_21 = arith.addi %add3A_18, %mul3A_20 : i32
      %dma_start3A = tpu.memref_slice %arg3[%add3A_21] : memref<320000xi32, #tpu.memory_space<hbm>> -> memref<80xi32, #tpu.memory_space<hbm>>
      %dma_start3A_22 = tpu.memref_slice %arg3[%add3A_21] : memref<320000xi32, #tpu.memory_space<hbm>> -> memref<80xi32, #tpu.memory_space<hbm>>
      tpu.enqueue_dma source(%dma_start3A_22 : memref<80xi32, #tpu.memory_space<hbm>>) target(%arg11 : memref<80xi32, #tpu.memory_space<vmem>>) target_semaphore(%arg19 : memref<!tpu.dma_semaphore, #tpu.memory_space<semaphore_mem>>)
      %dma_start3A_23 = tpu.memref_slice %arg4[%add3A_21] : memref<320000xi32, #tpu.memory_space<hbm>> -> memref<80xi32, #tpu.memory_space<hbm>>
      %dma_start3A_24 = tpu.memref_slice %arg4[%add3A_21] : memref<320000xi32, #tpu.memory_space<hbm>> -> memref<80xi32, #tpu.memory_space<hbm>>
      tpu.enqueue_dma source(%dma_start3A_24 : memref<80xi32, #tpu.memory_space<hbm>>) target(%arg12 : memref<80xi32, #tpu.memory_space<vmem>>) target_semaphore(%arg19 : memref<!tpu.dma_semaphore, #tpu.memory_space<semaphore_mem>>)
      %dma_start3A_25 = tpu.memref_slice %arg5[%add3A_21] : memref<320000xi32, #tpu.memory_space<hbm>> -> memref<80xi32, #tpu.memory_space<hbm>>
      %dma_start3A_26 = tpu.memref_slice %arg5[%add3A_21] : memref<320000xi32, #tpu.memory_space<hbm>> -> memref<80xi32, #tpu.memory_space<hbm>>
      tpu.enqueue_dma source(%dma_start3A_26 : memref<80xi32, #tpu.memory_space<hbm>>) target(%arg14 : memref<80xi32, #tpu.memory_space<vmem>>) target_semaphore(%arg19 : memref<!tpu.dma_semaphore, #tpu.memory_space<semaphore_mem>>)
      %dma_start3A_27 = tpu.memref_slice %arg6[%add3A_21] : memref<320000xi32, #tpu.memory_space<hbm>> -> memref<80xi32, #tpu.memory_space<hbm>>
      %dma_start3A_28 = tpu.memref_slice %arg6[%add3A_21] : memref<320000xi32, #tpu.memory_space<hbm>> -> memref<80xi32, #tpu.memory_space<hbm>>
      tpu.enqueue_dma source(%dma_start3A_28 : memref<80xi32, #tpu.memory_space<hbm>>) target(%arg15 : memref<80xi32, #tpu.memory_space<vmem>>) target_semaphore(%arg19 : memref<!tpu.dma_semaphore, #tpu.memory_space<semaphore_mem>>)
      %dma_start3A_29 = tpu.memref_slice %arg7[%add3A_21] : memref<320000xi32, #tpu.memory_space<hbm>> -> memref<80xi32, #tpu.memory_space<hbm>>
      %dma_start3A_30 = tpu.memref_slice %arg7[%add3A_21] : memref<320000xi32, #tpu.memory_space<hbm>> -> memref<80xi32, #tpu.memory_space<hbm>>
      tpu.enqueue_dma source(%dma_start3A_30 : memref<80xi32, #tpu.memory_space<hbm>>) target(%arg13 : memref<80xi32, #tpu.memory_space<vmem>>) target_semaphore(%arg19 : memref<!tpu.dma_semaphore, #tpu.memory_space<semaphore_mem>>)
      %dma_wait3A = tpu.memref_slice %arg3[%add3A_21] : memref<320000xi32, #tpu.memory_space<hbm>> -> memref<80xi32, #tpu.memory_space<hbm>>
      %dma_wait3A_31 = tpu.memref_slice %arg3[%add3A_21] : memref<320000xi32, #tpu.memory_space<hbm>> -> memref<80xi32, #tpu.memory_space<hbm>>
      tpu.wait_dma2 semaphore(%arg19 : memref<!tpu.dma_semaphore, #tpu.memory_space<semaphore_mem>>) src(%dma_wait3A_31 : memref<80xi32, #tpu.memory_space<hbm>>) dst(%arg11 : memref<80xi32, #tpu.memory_space<vmem>>)
      %dma_wait3A_32 = tpu.memref_slice %arg4[%add3A_21] : memref<320000xi32, #tpu.memory_space<hbm>> -> memref<80xi32, #tpu.memory_space<hbm>>
      %dma_wait3A_33 = tpu.memref_slice %arg4[%add3A_21] : memref<320000xi32, #tpu.memory_space<hbm>> -> memref<80xi32, #tpu.memory_space<hbm>>
      tpu.wait_dma2 semaphore(%arg19 : memref<!tpu.dma_semaphore, #tpu.memory_space<semaphore_mem>>) src(%dma_wait3A_33 : memref<80xi32, #tpu.memory_space<hbm>>) dst(%arg12 : memref<80xi32, #tpu.memory_space<vmem>>)
      %dma_wait3A_34 = tpu.memref_slice %arg5[%add3A_21] : memref<320000xi32, #tpu.memory_space<hbm>> -> memref<80xi32, #tpu.memory_space<hbm>>
      %dma_wait3A_35 = tpu.memref_slice %arg5[%add3A_21] : memref<320000xi32, #tpu.memory_space<hbm>> -> memref<80xi32, #tpu.memory_space<hbm>>
      tpu.wait_dma2 semaphore(%arg19 : memref<!tpu.dma_semaphore, #tpu.memory_space<semaphore_mem>>) src(%dma_wait3A_35 : memref<80xi32, #tpu.memory_space<hbm>>) dst(%arg14 : memref<80xi32, #tpu.memory_space<vmem>>)
      %dma_wait3A_36 = tpu.memref_slice %arg6[%add3A_21] : memref<320000xi32, #tpu.memory_space<hbm>> -> memref<80xi32, #tpu.memory_space<hbm>>
      %dma_wait3A_37 = tpu.memref_slice %arg6[%add3A_21] : memref<320000xi32, #tpu.memory_space<hbm>> -> memref<80xi32, #tpu.memory_space<hbm>>
      tpu.wait_dma2 semaphore(%arg19 : memref<!tpu.dma_semaphore, #tpu.memory_space<semaphore_mem>>) src(%dma_wait3A_37 : memref<80xi32, #tpu.memory_space<hbm>>) dst(%arg15 : memref<80xi32, #tpu.memory_space<vmem>>)
      %dma_wait3A_38 = tpu.memref_slice %arg7[%add3A_21] : memref<320000xi32, #tpu.memory_space<hbm>> -> memref<80xi32, #tpu.memory_space<hbm>>
      %dma_wait3A_39 = tpu.memref_slice %arg7[%add3A_21] : memref<320000xi32, #tpu.memory_space<hbm>> -> memref<80xi32, #tpu.memory_space<hbm>>
      tpu.wait_dma2 semaphore(%arg19 : memref<!tpu.dma_semaphore, #tpu.memory_space<semaphore_mem>>) src(%dma_wait3A_39 : memref<80xi32, #tpu.memory_space<hbm>>) dst(%arg13 : memref<80xi32, #tpu.memory_space<vmem>>)
      %dma_start3A_40 = arith.constant 0 : i32
      %dma_start3A_41 = arith.constant 0 : i32
      %dma_start3A_42 = tpu.memref_slice %arg2[%dma_start3A_40, %dma_start3A_41] : memref<20480x128xf32, #tpu.memory_space<hbm>> -> memref<20480x128xf32, #tpu.memory_space<hbm>>
      tpu.enqueue_indirect_dma source(%dma_start3A_42 : memref<20480x128xf32, #tpu.memory_space<hbm>>) target(%arg16 : memref<80x128xf32, #tpu.memory_space<vmem>>) offsets(%arg14 : memref<80xi32, #tpu.memory_space<vmem>>) semaphore(%arg19 : memref<!tpu.dma_semaphore, #tpu.memory_space<semaphore_mem>>)
      %dma_start3A_43 = arith.constant 0 : i32
      %dma_start3A_44 = arith.constant 0 : i32
      %dma_start3A_45 = tpu.memref_slice %arg2[%dma_start3A_43, %dma_start3A_44] : memref<20480x128xf32, #tpu.memory_space<hbm>> -> memref<20480x128xf32, #tpu.memory_space<hbm>>
      tpu.enqueue_indirect_dma source(%dma_start3A_45 : memref<20480x128xf32, #tpu.memory_space<hbm>>) target(%arg17 : memref<80x128xf32, #tpu.memory_space<vmem>>) offsets(%arg15 : memref<80xi32, #tpu.memory_space<vmem>>) semaphore(%arg19 : memref<!tpu.dma_semaphore, #tpu.memory_space<semaphore_mem>>)
      %dma_start3A_46 = arith.constant 0 : i32
      %dma_start3A_47 = arith.constant 0 : i32
      %dma_start3A_48 = tpu.memref_slice %arg8[%dma_start3A_46, %dma_start3A_47] : memref<40x128xf32, #tpu.memory_space<hbm>> -> memref<40x128xf32, #tpu.memory_space<hbm>>
      tpu.enqueue_indirect_dma source(%dma_start3A_48 : memref<40x128xf32, #tpu.memory_space<hbm>>) target(%arg18 : memref<80x128xf32, #tpu.memory_space<vmem>>) offsets(%arg13 : memref<80xi32, #tpu.memory_space<vmem>>) semaphore(%arg19 : memref<!tpu.dma_semaphore, #tpu.memory_space<semaphore_mem>>)
      %dma_wait3A_49 = arith.constant 0 : i32
      %dma_wait3A_50 = arith.constant 0 : i32
      %dma_wait3A_51 = tpu.memref_slice %arg2[%dma_wait3A_49, %dma_wait3A_50] : memref<20480x128xf32, #tpu.memory_space<hbm>> -> memref<20480x128xf32, #tpu.memory_space<hbm>>
      tpu.wait_indirect_dma semaphore(%arg19 : memref<!tpu.dma_semaphore, #tpu.memory_space<semaphore_mem>>) src(%dma_wait3A_51 : memref<20480x128xf32, #tpu.memory_space<hbm>>) dst(%arg16 : memref<80x128xf32, #tpu.memory_space<vmem>>)
      %dma_wait3A_52 = arith.constant 0 : i32
      %dma_wait3A_53 = arith.constant 0 : i32
      %dma_wait3A_54 = tpu.memref_slice %arg2[%dma_wait3A_52, %dma_wait3A_53] : memref<20480x128xf32, #tpu.memory_space<hbm>> -> memref<20480x128xf32, #tpu.memory_space<hbm>>
      tpu.wait_indirect_dma semaphore(%arg19 : memref<!tpu.dma_semaphore, #tpu.memory_space<semaphore_mem>>) src(%dma_wait3A_54 : memref<20480x128xf32, #tpu.memory_space<hbm>>) dst(%arg17 : memref<80x128xf32, #tpu.memory_space<vmem>>)
      %dma_wait3A_55 = arith.constant 0 : i32
      %dma_wait3A_56 = arith.constant 0 : i32
      %dma_wait3A_57 = tpu.memref_slice %arg8[%dma_wait3A_55, %dma_wait3A_56] : memref<40x128xf32, #tpu.memory_space<hbm>> -> memref<40x128xf32, #tpu.memory_space<hbm>>
      tpu.wait_indirect_dma semaphore(%arg19 : memref<!tpu.dma_semaphore, #tpu.memory_space<semaphore_mem>>) src(%dma_wait3A_57 : memref<40x128xf32, #tpu.memory_space<hbm>>) dst(%arg18 : memref<80x128xf32, #tpu.memory_space<vmem>>)
      %dma_start3A_58 = arith.constant 0 : i32
      %dma_start3A_59 = arith.constant 0 : i32
      %dma_start3A_60 = tpu.memref_slice %arg20[%dma_start3A_58, %dma_start3A_59] : memref<10240x128xf32, #tpu.memory_space<vmem_shared>> -> memref<10240x128xf32, #tpu.memory_space<vmem_shared>>
      tpu.enqueue_indirect_dma source(%arg16 : memref<80x128xf32, #tpu.memory_space<vmem>>) target(%dma_start3A_60 : memref<10240x128xf32, #tpu.memory_space<vmem_shared>>) offsets(%arg12 : memref<80xi32, #tpu.memory_space<vmem>>) semaphore(%arg19 : memref<!tpu.dma_semaphore, #tpu.memory_space<semaphore_mem>>) {add = true}
      %dma_start3A_61 = arith.constant 0 : i32
      %dma_start3A_62 = arith.constant 0 : i32
      %dma_start3A_63 = tpu.memref_slice %arg20[%dma_start3A_61, %dma_start3A_62] : memref<10240x128xf32, #tpu.memory_space<vmem_shared>> -> memref<10240x128xf32, #tpu.memory_space<vmem_shared>>
      tpu.enqueue_indirect_dma source(%arg17 : memref<80x128xf32, #tpu.memory_space<vmem>>) target(%dma_start3A_63 : memref<10240x128xf32, #tpu.memory_space<vmem_shared>>) offsets(%arg11 : memref<80xi32, #tpu.memory_space<vmem>>) semaphore(%arg19 : memref<!tpu.dma_semaphore, #tpu.memory_space<semaphore_mem>>) {add = true}
      %dma_start3A_64 = arith.constant 0 : i32
      %dma_start3A_65 = arith.constant 0 : i32
      %dma_start3A_66 = tpu.memref_slice %arg20[%dma_start3A_64, %dma_start3A_65] : memref<10240x128xf32, #tpu.memory_space<vmem_shared>> -> memref<10240x128xf32, #tpu.memory_space<vmem_shared>>
      tpu.enqueue_indirect_dma source(%arg18 : memref<80x128xf32, #tpu.memory_space<vmem>>) target(%dma_start3A_66 : memref<10240x128xf32, #tpu.memory_space<vmem_shared>>) offsets(%arg12 : memref<80xi32, #tpu.memory_space<vmem>>) semaphore(%arg19 : memref<!tpu.dma_semaphore, #tpu.memory_space<semaphore_mem>>) {add = true}
      %dma_start3A_67 = arith.constant 0 : i32
      %dma_start3A_68 = arith.constant 0 : i32
      %dma_start3A_69 = tpu.memref_slice %arg20[%dma_start3A_67, %dma_start3A_68] : memref<10240x128xf32, #tpu.memory_space<vmem_shared>> -> memref<10240x128xf32, #tpu.memory_space<vmem_shared>>
      tpu.enqueue_indirect_dma source(%arg18 : memref<80x128xf32, #tpu.memory_space<vmem>>) target(%dma_start3A_69 : memref<10240x128xf32, #tpu.memory_space<vmem_shared>>) offsets(%arg11 : memref<80xi32, #tpu.memory_space<vmem>>) semaphore(%arg19 : memref<!tpu.dma_semaphore, #tpu.memory_space<semaphore_mem>>) {add = true}
      %dma_wait3A_70 = arith.constant 0 : i32
      %dma_wait3A_71 = arith.constant 0 : i32
      %dma_wait3A_72 = tpu.memref_slice %arg20[%dma_wait3A_70, %dma_wait3A_71] : memref<10240x128xf32, #tpu.memory_space<vmem_shared>> -> memref<10240x128xf32, #tpu.memory_space<vmem_shared>>
      tpu.wait_indirect_dma semaphore(%arg19 : memref<!tpu.dma_semaphore, #tpu.memory_space<semaphore_mem>>) src(%arg16 : memref<80x128xf32, #tpu.memory_space<vmem>>) dst(%dma_wait3A_72 : memref<10240x128xf32, #tpu.memory_space<vmem_shared>>)
      %dma_wait3A_73 = arith.constant 0 : i32
      %dma_wait3A_74 = arith.constant 0 : i32
      %dma_wait3A_75 = tpu.memref_slice %arg20[%dma_wait3A_73, %dma_wait3A_74] : memref<10240x128xf32, #tpu.memory_space<vmem_shared>> -> memref<10240x128xf32, #tpu.memory_space<vmem_shared>>
      tpu.wait_indirect_dma semaphore(%arg19 : memref<!tpu.dma_semaphore, #tpu.memory_space<semaphore_mem>>) src(%arg17 : memref<80x128xf32, #tpu.memory_space<vmem>>) dst(%dma_wait3A_75 : memref<10240x128xf32, #tpu.memory_space<vmem_shared>>)
      %dma_wait3A_76 = arith.constant 0 : i32
      %dma_wait3A_77 = arith.constant 0 : i32
      %dma_wait3A_78 = tpu.memref_slice %arg20[%dma_wait3A_76, %dma_wait3A_77] : memref<10240x128xf32, #tpu.memory_space<vmem_shared>> -> memref<10240x128xf32, #tpu.memory_space<vmem_shared>>
      tpu.wait_indirect_dma semaphore(%arg19 : memref<!tpu.dma_semaphore, #tpu.memory_space<semaphore_mem>>) src(%arg18 : memref<80x128xf32, #tpu.memory_space<vmem>>) dst(%dma_wait3A_78 : memref<10240x128xf32, #tpu.memory_space<vmem_shared>>)
      %dma_wait3A_79 = arith.constant 0 : i32
      %dma_wait3A_80 = arith.constant 0 : i32
      %dma_wait3A_81 = tpu.memref_slice %arg20[%dma_wait3A_79, %dma_wait3A_80] : memref<10240x128xf32, #tpu.memory_space<vmem_shared>> -> memref<10240x128xf32, #tpu.memory_space<vmem_shared>>
      tpu.wait_indirect_dma semaphore(%arg19 : memref<!tpu.dma_semaphore, #tpu.memory_space<semaphore_mem>>) src(%arg18 : memref<80x128xf32, #tpu.memory_space<vmem>>) dst(%dma_wait3A_81 : memref<10240x128xf32, #tpu.memory_space<vmem_shared>>)
    }
    %scan3A_4 = arith.constant 125 : i32
    %barrier3A_5 = arith.constant 0 : index
    tpu.barrier barrier_id(%barrier3A_5)
    %mul3A_6 = arith.constant 640 : i32
    %mul3A_7 = arith.muli %arg1, %mul3A_6 : i32
    %mul3A_8 = arith.constant 640 : i32
    %mul3A_9 = arith.muli %arg1, %mul3A_8 : i32
    "tpu.region"() ({
      %run_scoped3A = tpu.sem_alloc : memref<!tpu.dma_semaphore, #tpu.memory_space<semaphore_mem>>
      %dma_start3A = arith.constant 0 : i32
      %dma_start3A_10 = tpu.memref_slice %arg10[%arg0, %mul3A_9, %dma_start3A] : memref<2x10240x128xf32, #tpu.memory_space<hbm>> -> memref<1x640x128xf32, #tpu.memory_space<hbm>>
      %dma_start3A_11 = tpu.memref_squeeze %dma_start3A_10 : memref<1x640x128xf32, #tpu.memory_space<hbm>> -> memref<640x128xf32, #tpu.memory_space<hbm>>
      %dma_start3A_12 = arith.constant 0 : i32
      %dma_start3A_13 = tpu.memref_slice %arg20[%mul3A_7, %dma_start3A_12] : memref<10240x128xf32, #tpu.memory_space<vmem_shared>> -> memref<640x128xf32, #tpu.memory_space<vmem_shared>>
      tpu.enqueue_dma source(%dma_start3A_13 : memref<640x128xf32, #tpu.memory_space<vmem_shared>>) target(%dma_start3A_11 : memref<640x128xf32, #tpu.memory_space<hbm>>) target_semaphore(%run_scoped3A : memref<!tpu.dma_semaphore, #tpu.memory_space<semaphore_mem>>)
      %dma_wait3A = arith.constant 0 : i32
      %dma_wait3A_14 = tpu.memref_slice %arg10[%arg0, %mul3A_9, %dma_wait3A] : memref<2x10240x128xf32, #tpu.memory_space<hbm>> -> memref<1x640x128xf32, #tpu.memory_space<hbm>>
      %dma_wait3A_15 = tpu.memref_squeeze %dma_wait3A_14 : memref<1x640x128xf32, #tpu.memory_space<hbm>> -> memref<640x128xf32, #tpu.memory_space<hbm>>
      %dma_wait3A_16 = arith.constant 0 : i32
      %dma_wait3A_17 = tpu.memref_slice %arg20[%mul3A_7, %dma_wait3A_16] : memref<10240x128xf32, #tpu.memory_space<vmem_shared>> -> memref<640x128xf32, #tpu.memory_space<vmem_shared>>
      tpu.wait_dma2 semaphore(%run_scoped3A : memref<!tpu.dma_semaphore, #tpu.memory_space<semaphore_mem>>) src(%dma_wait3A_17 : memref<640x128xf32, #tpu.memory_space<vmem_shared>>) dst(%dma_wait3A_15 : memref<640x128xf32, #tpu.memory_space<hbm>>)
      tpu.yield
    }) : () -> ()
    return
  }
}

module attributes {stable_mosaic.version = 14 : i64} {
  func.func @_relhid_body(%arg0: memref<40x128xf32, #tpu.memory_space<vmem>>, %arg1: memref<128x128xf32, #tpu.memory_space<vmem>>, %arg2: memref<40x128xf32, #tpu.memory_space<vmem>>) attributes {dimension_semantics = [], scalar_prefetch = 0 : i64, scratch_operands = 0 : i64, tpu.core_type = #tpu.core_type<tc>} {
    %get3A = arith.constant 0 : index
    %get3A_0 = arith.constant 0 : index
    %get3A_1 = vector.load %arg0[%get3A, %get3A_0] : memref<40x128xf32, #tpu.memory_space<vmem>>, vector<40x128xf32>
    %get3A_2 = arith.constant 0 : index
    %get3A_3 = arith.constant 0 : index
    %get3A_4 = vector.load %arg1[%get3A_2, %get3A_3] : memref<128x128xf32, #tpu.memory_space<vmem>>, vector<128x128xf32>
    %dot_general3A = arith.constant dense<0.000000e+00> : vector<40x128xf32>
    %dot_general3A_5 = tpu.matmul %get3A_1, %get3A_4, %dot_general3A {dimension_numbers = #tpu.dot_dimension_numbers<[1], [0], [0], [1], [0, 0, 1, 1], [], []>, transpose_lhs_hint = false} : vector<40x128xf32>, vector<128x128xf32>, vector<40x128xf32> -> vector<40x128xf32>
    %swap3A = arith.constant 0 : index
    %swap3A_6 = arith.constant 0 : index
    %swap3A_7 = vector.load %arg2[%swap3A, %swap3A_6] : memref<40x128xf32, #tpu.memory_space<vmem>>, vector<40x128xf32>
    tpu.vector_store %arg2[%swap3A, %swap3A_6], %dot_general3A_5 {strides = array<i32>} : memref<40x128xf32, #tpu.memory_space<vmem>>, vector<40x128xf32>,
    return
  }
}

module attributes {stable_mosaic.version = 14 : i64} {
  func.func @_dense_body(%arg0: i32, %arg1: memref<2000x128xf32, #tpu.memory_space<vmem>>, %arg2: memref<2000x128xf32, #tpu.memory_space<vmem>>, %arg3: memref<2000x8xf32, #tpu.memory_space<vmem>>, %arg4: memref<128x128xf32, #tpu.memory_space<vmem>>, %arg5: memref<128x128xf32, #tpu.memory_space<vmem>>, %arg6: memref<2000x128xf32, #tpu.memory_space<vmem>>) attributes {dimension_semantics = [#tpu.dimension_semantics<arbitrary>], iteration_bounds = array<i64: 10>, scalar_prefetch = 0 : i64, scratch_operands = 0 : i64, tpu.core_type = #tpu.core_type<tc>, window_params = [{transform_indices = @transform_0, window_bounds = array<i64: 2000, 128>}, {transform_indices = @transform_1, window_bounds = array<i64: 2000, 128>}, {transform_indices = @transform_2, window_bounds = array<i64: 2000, 8>}, {pipeline_mode = #tpu.pipeline_mode<synchronous>, transform_indices = @transform_3, window_bounds = array<i64: 128, 128>}, {pipeline_mode = #tpu.pipeline_mode<synchronous>, transform_indices = @transform_4, window_bounds = array<i64: 128, 128>}, {transform_indices = @transform_5, window_bounds = array<i64: 2000, 128>}]} {
    %get3A = arith.constant 0 : index
    %get3A_0 = arith.constant 0 : index
    %get3A_1 = vector.load %arg3[%get3A, %get3A_0] : memref<2000x8xf32, #tpu.memory_space<vmem>>, vector<2000x1xf32>
    %max3A = arith.constant 1.000000e+00 : f32
    %max3A_2 = vector.broadcast %max3A : f32 to vector<2000x1xf32>
    %max3A_3 = arith.maximumf %get3A_1, %max3A_2 : vector<2000x1xf32>
    %get3A_4 = arith.constant 0 : index
    %get3A_5 = arith.constant 0 : index
    %get3A_6 = vector.load %arg2[%get3A_4, %get3A_5] : memref<2000x128xf32, #tpu.memory_space<vmem>>, vector<2000x128xf32>
    %div3A = arith.constant 1.000000e+00 : f32
    %div3A_7 = vector.broadcast %div3A : f32 to vector<2000x1xf32>
    %div3A_8 = arith.divf %div3A_7, %max3A_3 : vector<2000x1xf32>
    %mul3A = vector.broadcast %div3A_8 : vector<2000x1xf32> to vector<2000x128xf32>
    %mul3A_9 = arith.mulf %get3A_6, %mul3A : vector<2000x128xf32>
    %get3A_10 = arith.constant 0 : index
    %get3A_11 = arith.constant 0 : index
    %get3A_12 = vector.load %arg1[%get3A_10, %get3A_11] : memref<2000x128xf32, #tpu.memory_space<vmem>>, vector<2000x128xf32>
    %get3A_13 = arith.constant 0 : index
    %get3A_14 = arith.constant 0 : index
    %get3A_15 = vector.load %arg4[%get3A_13, %get3A_14] : memref<128x128xf32, #tpu.memory_space<vmem>>, vector<128x128xf32>
    %dot_general3A = arith.constant dense<0.000000e+00> : vector<2000x128xf32>
    %dot_general3A_16 = tpu.matmul %get3A_12, %get3A_15, %dot_general3A {dimension_numbers = #tpu.dot_dimension_numbers<[1], [0], [0], [1], [0, 0, 1, 1], [], []>, transpose_lhs_hint = false} : vector<2000x128xf32>, vector<128x128xf32>, vector<2000x128xf32> -> vector<2000x128xf32>
    %get3A_17 = arith.constant 0 : index
    %get3A_18 = arith.constant 0 : index
    %get3A_19 = vector.load %arg5[%get3A_17, %get3A_18] : memref<128x128xf32, #tpu.memory_space<vmem>>, vector<128x128xf32>
    %dot_general3A_20 = arith.constant dense<0.000000e+00> : vector<2000x128xf32>
    %dot_general3A_21 = tpu.matmul %mul3A_9, %get3A_19, %dot_general3A_20 {dimension_numbers = #tpu.dot_dimension_numbers<[1], [0], [0], [1], [0, 0, 1, 1], [], []>, transpose_lhs_hint = false} : vector<2000x128xf32>, vector<128x128xf32>, vector<2000x128xf32> -> vector<2000x128xf32>
    %add3A = arith.addf %dot_general3A_16, %dot_general3A_21 : vector<2000x128xf32>
    %max3A_22 = arith.constant 0.000000e+00 : f32
    %max3A_23 = vector.broadcast %max3A_22 : f32 to vector<2000x128xf32>
    %max3A_24 = arith.maximumf %add3A, %max3A_23 : vector<2000x128xf32>
    %swap3A = arith.constant 0 : index
    %swap3A_25 = arith.constant 0 : index
    %swap3A_26 = vector.load %arg6[%swap3A, %swap3A_25] : memref<2000x128xf32, #tpu.memory_space<vmem>>, vector<2000x128xf32>
    tpu.vector_store %arg6[%swap3A, %swap3A_25], %max3A_24 {strides = array<i32>} : memref<2000x128xf32, #tpu.memory_space<vmem>>, vector<2000x128xf32>,
    return
  }
  func.func @transform_0(%arg0: i32) -> (i32, i32) {
    %c0_i32 = arith.constant 0 : i32
    %c0_i32_0 = arith.constant 0 : i32
    return %arg0, %c0_i32 : i32, i32
  }
  func.func @transform_1(%arg0: i32) -> (i32, i32) {
    %c0_i32 = arith.constant 0 : i32
    %c0_i32_0 = arith.constant 0 : i32
    return %arg0, %c0_i32 : i32, i32
  }
  func.func @transform_2(%arg0: i32) -> (i32, i32) {
    %c0_i32 = arith.constant 0 : i32
    %c0_i32_0 = arith.constant 0 : i32
    return %arg0, %c0_i32 : i32, i32
  }
  func.func @transform_3(%arg0: i32) -> (i32, i32) {
    %c0_i32 = arith.constant 0 : i32
    %c0_i32_0 = arith.constant 0 : i32
    %c0_i32_1 = arith.constant 0 : i32
    return %c0_i32, %c0_i32_0 : i32, i32
  }
  func.func @transform_4(%arg0: i32) -> (i32, i32) {
    %c0_i32 = arith.constant 0 : i32
    %c0_i32_0 = arith.constant 0 : i32
    %c0_i32_1 = arith.constant 0 : i32
    return %c0_i32, %c0_i32_0 : i32, i32
  }
  func.func @transform_5(%arg0: i32) -> (i32, i32) {
    %c0_i32 = arith.constant 0 : i32
    %c0_i32_0 = arith.constant 0 : i32
    return %arg0, %c0_i32 : i32, i32
  }
}

</mosaic_0001>

<sc_bundles>
// kernel: kernel.11.cloned.1.call-start
scs
__scs_entry_jumppad:
0x0: {  	(pc) =	sbr.rel $0x88, $3  }
0x1: {  	(tag) =	ssettag $0x0;
	lr =	simm.s32 $0x1  }
0x2: {  	[smem:$0x3F98] =	sst lr;
	_ =	strace $0xD0000000  }
0x3: {  	_ = 	snop  }
0x4: {  	_ = 	snop  }
0x5: {  	_ = 	snop  }
0x6: {  	_ = 	snop  }
0x7: {  	_ = 	snop  }
__scs_overlays_trampoline_lowered:
0x8: {  	[smem:$0x3FA7] =	sst s0  }
0x9: {  	[smem:$0x3FA8] =	sst s1  }
0xa: {  	[smem:$0x3FA9] =	sst s2  }
0xb: {  	[smem:$0x3FAA] =	sst s3  }
0xc: {  	[smem:$0x3FAB] =	sst s4  }
0xd: {  	[smem:$0x3FAC] =	sst s5  }
0xe: {  	[smem:$0x3FAD] =	sst s6  }
0xf: {  	[smem:$0x3FAE] =	sst s7  }
0x10: {  	[smem:$0x3FAF] =	sst s8  }
0x11: {  	[smem:$0x3FB0] =	sst s9;
	s0 =	simm.s32 @!p0 $0x0  }
0x12: {  	s1 =	sld [smem:$0x3F96];
	s0 =	simm.s32 @p0 $0x1  }
0x13: {  	[smem:$0x3FB1] =	sst s0;
	s0 =	simm.s32 @!p1 $0x0  }
0x14: {  	s2 =	sld [smem:$0x3F95];
	s0 =	simm.s32 @p1 $0x1  }
0x15: {  	[smem:$0x3FB2] =	sst s0;
	s0 =	simm.s32 @!p2 $0x0  }
0x16: {  	s3 =	sld [smem:$0x3FDB];
	s0 =	simm.s32 @p2 $0x1  }
0x17: {  	s4 =	simm.s32 $0x1BF5;
	[smem:$0x3FB4] =	sst s0  }
0x18: {  	s0 =	sld [smem:$0x3F97];
	_ =	swait.ge [sflag:s4], $0x0  }
0x19: {  	s7 =	sld [smem:$0x3F98]  }
0x1a: {  	s8 =	sadd.s32 $0xFFFFE003, lr  }
0x1b: {  	s9 =	sadd.s32 $0xFFFFFEF7, lr;
	s5 =	simm.s32 $0xFFFFFFFF;
	p2 =	slt.u32 s8, $0xFFFFF086  }
0x1c: {  	p1 =	slt.u32 s9, $0xF7A;
	s5 =	simm.s32 @!p2 $0x0  }
0x1d: {  	s5 =	simm.s32 @p1 $0x1;
	p0 =	seq.s32 s7, s2  }
0x1e: {  	s7 =	smul.u32 @!p0 $0xF7A, s2;
	p2 =	seq.s32 @!p0 s5, $0x0  }
0x1f: {  	s9 =	smul.u32 $0xF7A, s1;
	s8 =	simm.s32 @!p0 $0x1BF5;
	p2 =	por !p2, p0  }
0x20: {  	[sflag:s8] =	ssyncset.s32 @!p0 $0xFFFFF086;
	s6 =	sadd.s32 @!p0 s3, s7;
	s7 =	simm.s32 @!p0 $0x108  }
0x21: {  	s3 =	sadd.s32 s3, s9;
	s6 =	sadd.s32 @!p0 $0x88, s6;
	s7 =	simm.s32 @p2 $0x1082  }
0x22: {  	[simem:s7], [sflag:s8] =	dma.local @!p0 [hbm:s6], $0xF7A  }
0x23: {  	s9 =	sor.u32 $0xD0000000, s2;
	s6 =	simm.s32 $0x108;
	_ =	swait.ge @!p0 [sflag:s8], $0x0  }
0x24: {  	s3 =	sadd.s32 $0x88, s3;
	s6 =	simm.s32 @!p1 $0x1082;
	[sflag:s4] =	ssyncset.s32 $0xFFFFF086  }
0x25: {  	[simem:s6], [sflag:s4] =	dma.local [hbm:s3], $0xF7A  }
0x26: {  	[smem:$0x3F98] =	sst s1;
	(tag) =	ssettag s2;
	_ =	strace s9  }
0x27: {  	s1 =	sld [smem:$0x3FA8]  }
0x28: {  	s2 =	sld [smem:$0x3FA9]  }
0x29: {  	s4 =	sld [smem:$0x3FAB]  }
0x2a: {  	p0 =	seq.s32 s5, $0x0;
	s5 =	sld [smem:$0x3FAC]  }
0x2b: {  	s6 =	sld [smem:$0x3FAD]  }
0x2c: {  	s7 =	sld [smem:$0x3FAE]  }
0x2d: {  	s3 =	simm.s32 $0x108;
	s8 =	sld [smem:$0x3FAF]  }
0x2e: {  	s3 =	simm.s32 @!p0 $0x1082;
	s9 =	sld [smem:$0x3FB0]  }
0x2f: {  	lr =	sadd.s32 s0, s3;
	s0 =	sld [smem:$0x3FA7]  }
0x30: {  	s3 =	sld [smem:$0x3FAA]  }
0x31: {  	[smem:$0x3FB3] =	sst s10  }
0x32: {  	s10 =	sld [smem:$0x3FB1];
	_ =	sdelay $0x3  }
0x33: {  	p0 =	seq.s32 s10, $0x1;
	s10 =	sld [smem:$0x3FB3];
	_ =	sdelay $0x3  }
0x34: {  	[smem:$0x3FB3] =	sst s10  }
0x35: {  	s10 =	sld [smem:$0x3FB2];
	_ =	sdelay $0x3  }
0x36: {  	p1 =	seq.s32 s10, $0x1;
	s10 =	sld [smem:$0x3FB3];
	_ =	sdelay $0x3  }
0x37: {  	[smem:$0x3FB3] =	sst s10  }
0x38: {  	s10 =	sld [smem:$0x3FB4]  }
0x39: {  	_ = 	snop;
	(pc) =	sbr.ind lr, $3  }
0x3a: {  	_ = 	snop  }
0x3b: {  	_ = 	snop  }
0x3c: {  	p2 =	seq.s32 s10, $0x1;
	s10 =	sld [smem:$0x3FB3]  }
0x3d: {  	_ =	shalt  }
0x3e: {  	_ =	shalt  }
0x3f: {  	_ =	shalt  }
0x40: {  	_ =	shalt  }
0x41: {  	_ =	shalt  }
0x42: {  	_ =	shalt  }
0x43: {  	_ =	shalt  }
0x44: {  	_ =	shalt  }
0x45: {  	_ =	shalt  }
0x46: {  	_ =	shalt  }
0x47: {  	_ =	shalt  }
0x48: {  	_ =	shalt  }
0x49: {  	_ =	shalt  }
0x4a: {  	_ =	shalt  }
0x4b: {  	_ =	shalt  }
0x4c: {  	_ =	shalt  }
0x4d: {  	_ =	shalt  }
0x4e: {  	_ =	shalt  }
0x4f: {  	_ =	shalt  }
0x50: {  	_ =	shalt  }
0x51: {  	_ =	shalt  }
0x52: {  	_ =	shalt  }
0x53: {  	_ =	shalt  }
0x54: {  	_ =	shalt  }
0x55: {  	_ =	shalt  }
0x56: {  	_ =	shalt  }
0x57: {  	_ =	shalt  }
0x58: {  	_ =	shalt  }
0x59: {  	_ =	shalt  }
0x5a: {  	_ =	shalt  }
0x5b: {  	_ =	shalt  }
0x5c: {  	_ =	shalt  }
0x5d: {  	_ =	shalt  }
0x5e: {  	_ =	shalt  }
0x5f: {  	_ =	shalt  }
0x60: {  	_ =	shalt  }
0x61: {  	_ =	shalt  }
0x62: {  	_ =	shalt  }
0x63: {  	_ =	shalt  }
0x64: {  	_ =	shalt  }
0x65: {  	_ =	shalt  }
0x66: {  	_ =	shalt  }
0x67: {  	_ =	shalt  }
0x68: {  	_ =	shalt  }
0x69: {  	_ =	shalt  }
0x6a: {  	_ =	shalt  }
0x6b: {  	_ =	shalt  }
0x6c: {  	_ =	shalt  }
0x6d: {  	_ =	shalt  }
0x6e: {  	_ =	shalt  }
0x6f: {  	_ =	shalt  }
0x70: {  	_ =	shalt  }
0x71: {  	_ =	shalt  }
0x72: {  	_ =	shalt  }
0x73: {  	_ =	shalt  }
0x74: {  	_ =	shalt  }
0x75: {  	_ =	shalt  }
0x76: {  	_ =	shalt  }
0x77: {  	_ =	shalt  }
0x78: {  	_ =	shalt  }
0x79: {  	_ =	shalt  }
0x7a: {  	_ =	shalt  }
0x7b: {  	_ =	shalt  }
0x7c: {  	_ =	shalt  }
0x7d: {  	_ =	shalt  }
0x7e: {  	_ =	shalt  }
0x7f: {  	_ =	shalt  }
0x80: {  	_ =	shalt  }
0x81: {  	_ =	shalt  }
0x82: {  	_ =	shalt  }
0x83: {  	_ =	shalt  }
0x84: {  	_ =	shalt  }
0x85: {  	_ =	shalt  }
0x86: {  	_ =	shalt  }
0x87: {  	_ =	shalt  }
.Lfunc_end0:
.L_simem_size_0:
called_computation.1_lowered:
.L_overlay_start_0:
0x88: {  	s2 =	sld [smem:$0x3FD9]  }
0x89: {  	s3 =	sld [smem:$0x3FFE];
	_ =	sdelay $0x1  }
0x8a: {  	s1 =	srdreg.scid  }
0x8b: {  	s0 =	sand.u32 $0x1, s1  }
0x8c: {  	s17 =	sshll.u32 s0, $0xA;
	s2 =	sadd.s32 s3, s2  }
0x8d: {  	s2 =	sadd.s32 s2, s17  }
0x8e: {  	[smem:$0x3FBF] =	sst s2  }
0x8f: {  	_ = 	snop  }
0x90: {  	s18 =	sld [smem:$0x3FD0];
	(tm) =	ssettm $0x1  }
0x91: {  	s19 =	sld [smem:$0x3FFB];
	_ =	sdelay $0x3  }
0x92: {  	_ =	strace s19  }
0x93: {  	s2 =	sld [smem:$0x3FFC];
	_ =	sdelay $0x3  }
0x94: {  	_ =	strace s2  }
0x95: {  	s2 =	sld [smem:$0x3FFD];
	_ =	sdelay $0x3  }
0x96: {  	_ =	strace s2  }
0x97: {  	_ =	strace $0x8FFFFFFF  }
0x98: {  	s20 =	sld [smem:$0x3FDB];
	_ =	sdelay $0x1  }
0x99: {  	s4 =	simm.s32 $_scs_section_size  }
0x9a: {  	s5 =	simm.s32 $_size__tile_overlayer_lowered;
	s6 =	simm.s32 $_tile_overlayer_lowered  }
0x9b: {  	s7 =	simm.s32 $0x1BFF;
	s21 =	sshll.u32 s6, $0x1;
	s4 =	sadd.s32 s4, s20  }
0x9c: {  	s22 =	simm.s32 $0x0;
	s5 =	sshll.u32 s5, $0x1;
	s6 =	sadd.s32 s21, s4  }
0x9d: {  	[timem:s22], [sflag:s7] =	dma.local [hbm:s6], s5  }
0x9e: {  	_ =	swait.ge [sflag:s7], s5  }
0x9f: {  	s5 =	ssub.s32 $0x0, s5;
	[sflag:s7] =	ssyncset.done $0x0  }
0xa0: {  	[sflag:s7] =	ssyncadd.s32 s5;
	_ =	sdelay $0x1  }
0xa1: {  	s23 =	simm.s32 $0x1B8B  }
0xa2: {  	_ =	swait.ge [sflag:s23], $0x1  }
0xa3: {  	[sflag:s23] =	ssyncset.done $0x0  }
0xa4: {  	[sflag:s23] =	ssyncadd.s32 $0xFFFFFFFF  }
0xa5: {  	s5 =	sld [smem:$0x0]  }
0xa6: {  	s6 =	sand.u32 $0xFFFFFFFE, s1  }
0xa7: {  	p0 =	sne.s32 s1, s6  }
0xa8: {  	s6 =	sshll.u32 @p0 s6, $0xE  }
0xa9: {  	s6 =	sadd.s32 @p0 $0x11B8D, s6;
	s7 =	sshll.u32 @p0 s5, $0x11  }
0xaa: {  	s6 =	sor.u32 @p0 s7, s6  }
0xab: {  	[sflag:s6] =	ssyncadd.remote.s32 @p0 $0x1;
	_ =	sdelay $0x1  }
0xac: {  	s6 =	simm.s32 @p0 $0x1B8D  }
0xad: {  	_ =	swait.eq @p0 [sflag:s6], $0x1  }
0xae: {  	[sflag:s6] =	ssyncadd.s32 @p0 $0xFFFFFFFF  }
0xaf: {  	s7 =	sshll.u32 @!p0 s1, $0xE  }
0xb0: {  	s7 =	sor.u32 @!p0 $0x4000, s7;
	s6 =	simm.s32 @!p0 $0x1B8D  }
0xb1: {  	s5 =	sshll.u32 @!p0 s5, $0x11;
	s7 =	sadd.s32 @!p0 $0x11B8D, s7;
	_ =	swait.eq @!p0 [sflag:s6], $0x1  }
0xb2: {  	s5 =	sor.u32 @!p0 s5, s7;
	[sflag:s6] =	ssyncadd.s32 @!p0 $0xFFFFFFFF  }
0xb3: {  	s25 =	simm.s32 $0x1B8E;
	s24 =	sld [smem:$0x3FFE];
	[sflag:s5] =	ssyncadd.remote.s32 @!p0 $0x1  }
0xb4: {  	s26 =	simm.s32 $execute0_lowered;
	[smem:$0x3FD2] =	sst s25  }
0xb5: {  	s6 =	sshll.u32 s26, $0x1;
	_ =	strace $0x8000004C;
	[dreg:$0x1] =	wrdreg $0xFFFFFFFF  }
0xb6: {  	s28 =	simm.s32 $_size_execute0_lowered;
	s4 =	sadd.s32 s4, s6;
	[dreg:$0x0] =	wrdreg $0x0  }
0xb7: {  	s6 =	sshll.u32 s28, $0x1;
	[dreg:$0x2] =	wrdreg s4  }
0xb8: {  	[dreg:$0x3] =	wrdreg s6  }
0xb9: {  	[dreg:$0x4] =	wrdreg $0xC0  }
0xba: {  	_ =	task [dreg:s22], $0x5FFFF  }
0xbb: {  	[dreg:$0x1] =	wrdreg $0xFFFFFFFF  }
0xbc: {  	[dreg:$0x0] =	wrdreg $0x60  }
0xbd: {  	[dreg:$0x2] =	wrdreg s24  }
0xbe: {  	[dreg:$0x3] =	wrdreg s18  }
0xbf: {  	[dreg:$0x4] =	wrdreg $0x7A800  }
0xc0: {  	[dreg:$0x5] =	wrdreg $0xA  }
0xc1: {  	_ =	task.clear_ibuf [dreg:s22], $0x6FFFF;
	_ =	strace $0x9000004C  }
0xc2: {  	s29 =	simm.s32 $0xA;
	_ =	strace $0x8000004E  }
0xc3: {  	_ =	swait.ge [sflag:s29], $0x1  }
0xc4: {  	[sflag:s29] =	ssyncadd.s32 $0xFFFFFFFF  }
0xc5: {  	_ =	strace $0x9000004E  }
0xc6: {  	_ =	sfence  }
0xc7: {  	s30 =	sld [smem:$0x0];
	_ =	sdelay $0x2  }
0xc8: {  	s31 =	sshll.u32 s1, $0xD;
	s1 =	sshrl.u32 s1, $0x2  }
0xc9: {  	s4 =	sand.u32 $0x4000, s31;
	s1 =	sadd.s32 s1, s30  }
0xca: {  	s0 =	sor.u32 s4, s0;
	s1 =	sshll.u32 s1, $0x11  }
0xcb: {  	s0 =	sor.u32 s1, s0  }
0xcc: {  	s0 =	sadd.s32 $0x8F2B, s0  }
0xcd: {  	[sflag:s0] =	ssyncadd.remote.s32 $0x1  }
0xce: {  	_ =	sfence.sel $0xFFFF  }
0xcf: {  	[dreg:$0x0] =	wrdreg $0xFFFFFFFF;
	(pc) =	sbr.abs _section_cstart, $3  }
0xd0: {  	[dreg:$0x1] =	wrdreg $0xFFFFFFFF  }
0xd1: {  	_ =	task.clear_ibuf [dreg:s22], $0x2FFFF;
	_ =	strace $0x9FFFFFFF  }
0xd2: {  	(tm) =	ssettm $0x7FFFFFFF  }
0xd3: {  	_ =	shalt  }
tec
execute0_lowered:
.L_overlay_start_1:
0x0: {  	(tag) =	ssettag $0x1  }
0x1: {  	s6 =	rddreg [dreg:$0x0]  }
0x2: {  	s8 =	rddreg [dreg:$0x1];
	s0 =	srdreg.scid  }
0x3: {  	s2 =	rddreg [dreg:$0x2];
	s1 =	stileid.u32;
	s3 =	simm.s32 $0x0  }
0x4: {  	s16 =	simm.s32 $0x2;
	s17 =	simm.s32 $0x80;
	s18 =	simm.s32 $0x180  }
0x5: {  	s19 =	simm.s32 $0x200;
	s20 =	simm.s32 $0x100;
	s21 =	simm.s32 $0x1  }
0x6: {  	s22 =	simm.s32 $0x50;
	s23 =	simm.s32 $0x280;
	s7 =	smul.u32 $0x2710, s1  }
0x7: {  	s24 =	simm.s32 $0x2A80;
	s25 =	simm.s32 $0x5280;
	s10 =	smul.u32 $0x14000, s1  }
0x8: {  	s5 =	sand.u32 $0x1, s0;
	[smem:$0x7FF] =	sst s3;
	s12 =	smul.u32 $0x50000, s1  }
0x9: {  	s30 =	sshll.u32 s1, $0x6;
	s4 =	smul.u32 $0x27100, s5;
	_ =	strace $0x8000004D  }
0xa: {  	s9 =	smul.u32 $0x140000, s5;
	s26 =	ssub.s32 $0x2, s5;
	s5 =	sadd.s32 $0xA7C00, s6  }
0xb: {  	s11 =	sshrl.u32 s26, $0x1;
	s29 =	sshrl.u32 s12, $0x2;
	s7 =	sadd.s32 s7, s4  }
0xc: {  	s4 =	sadd.s32 $0x3600, s6;
	s11 =	ssub.s32 s26, s11;
	s28 =	sadd.s32 s10, s9  }
0xd: {  	s15 =	sadd.s32 s29, s2;
	s26 =	simm.s32 $0x0;
	s7 =	sshrl.u32 s7, $0x3  }
0xe: {  	s31 =	sshrl.u32 s28, $0x3;
	s9 =	smax.u32 s11, $0x1;
	s15 =	sshrl.u32 s15, $0x3  }
0xf: {  	s14 =	sadd.s32 s7, s6;
	s6 =	sadd.s32 $0xB1E00, s6;
	s7 =	sor.u32 $0x1C02, s30  }
0x10: {  	s8 =	sadd.s32 s8, s31;
	s10 =	sadd.s32 $0xA8000, s14;
	s11 =	sadd.s32 $0x98A00, s14  }
0x11: {  	s12 =	sadd.s32 $0x8EC00, s14;
	s13 =	sadd.s32 $0x5D400, s14;
	s14 =	sadd.s32 $0x53600, s14  }
.LBB2_1:
0x12: {  	[spmem:s15], [sflag:s7] =	dma.local [hbm:s6], $0x2800  }
0x13: {  	_ =	swait.ge [sflag:s16], $0x2800  }
0x14: {  	[sflag:s16] =	ssyncset.done $0x0  }
0x15: {  	[sflag:s16] =	ssyncadd.s32 $0xFFFFD800  }
0x16: {  	s28 =	sadd.s32 $0x0, s14;
	[bflag:$0x0] =	sbarrier.arrive $0xFFFF  }
0x17: {  	[tilespmem:s3], [sflag:$0x1] =	stream.linear.gather [hbm4b:s28+s3], $0x50, $0x38;
	[tilespmem:$0x1BA80] =	vst v63  }
0x18: {  	s28 =	sadd.s32 $0x0, s13  }
0x19: {  	[tilespmem:s17], [sflag:$0x1] =	stream.linear.gather [hbm4b:s28+s3], $0x50, $0x38;
	[tilespmem:$0x1BA80] =	vst v63  }
0x1a: {  	s28 =	sadd.s32 $0x0, s12  }
0x1b: {  	[tilespmem:s18], [sflag:$0x1] =	stream.linear.gather [hbm4b:s28+s3], $0x50, $0x38;
	[tilespmem:$0x1BA80] =	vst v63  }
0x1c: {  	s28 =	sadd.s32 $0x0, s11  }
0x1d: {  	[tilespmem:s19], [sflag:$0x1] =	stream.linear.gather [hbm4b:s28+s3], $0x50, $0x38;
	[tilespmem:$0x1BA80] =	vst v63  }
0x1e: {  	s28 =	sadd.s32 $0x0, s10  }
0x1f: {  	[tilespmem:s20], [sflag:$0x1] =	stream.linear.gather [hbm4b:s28+s3], $0x50, $0x38;
	[tilespmem:$0x1BA80] =	vst v63  }
0x20: {  	_ =	swait.ge [sflag:s21], $0x50  }
0x21: {  	[sflag:s21] =	ssyncset.done $0x0  }
0x22: {  	[sflag:s21] =	ssyncadd.s32 $0xFFFFFFB0  }
0x23: {  	_ =	swait.ge [sflag:s21], $0x50  }
0x24: {  	[sflag:s21] =	ssyncset.done $0x0  }
0x25: {  	[sflag:s21] =	ssyncadd.s32 $0xFFFFFFB0  }
0x26: {  	_ =	swait.ge [sflag:s21], $0x50  }
0x27: {  	[sflag:s21] =	ssyncset.done $0x0  }
0x28: {  	[sflag:s21] =	ssyncadd.s32 $0xFFFFFFB0  }
0x29: {  	_ =	swait.ge [sflag:s21], $0x50  }
0x2a: {  	[sflag:s21] =	ssyncset.done $0x0  }
0x2b: {  	[sflag:s21] =	ssyncadd.s32 $0xFFFFFFB0  }
0x2c: {  	_ =	swait.ge [sflag:s21], $0x50  }
0x2d: {  	[sflag:s21] =	ssyncset.done $0x0  }
0x2e: {  	[sflag:s21] =	ssyncadd.s32 $0xFFFFFFB0  }
0x2f: {  	[tilespmem:s23], [sflag:$0x1] =	stream.indirect.gather [hbm4b:s4+s22], $0x80, s18, s22, $0xb8;
	[tilespmem:$0x1BA80] =	vst v63  }
0x30: {  	_ = 	snop  }
0x31: {  	[tilespmem:s24], [sflag:$0x1] =	stream.indirect.gather [hbm4b:s4+s22], $0x80, s19, s22, $0xb8;
	[tilespmem:$0x1BA80] =	vst v63  }
0x32: {  	_ = 	snop  }
0x33: {  	[tilespmem:s25], [sflag:$0x1] =	stream.indirect.gather [hbm4b:s5+s22], $0x80, s20, s22, $0xb8;
	[tilespmem:$0x1BA80] =	vst v63  }
0x34: {  	_ =	swait.ge [sflag:s21], $0x2800  }
0x35: {  	[sflag:s21] =	ssyncset.done $0x0  }
0x36: {  	[sflag:s21] =	ssyncadd.s32 $0xFFFFD800  }
0x37: {  	_ =	swait.ge [sflag:s21], $0x2800  }
0x38: {  	[sflag:s21] =	ssyncset.done $0x0  }
0x39: {  	[sflag:s21] =	ssyncadd.s32 $0xFFFFD800  }
0x3a: {  	_ =	swait.ge [sflag:s21], $0x2800  }
0x3b: {  	[sflag:s21] =	ssyncset.done $0x0  }
0x3c: {  	[sflag:s21] =	ssyncadd.s32 $0xFFFFD800  }
0x3d: {  	[spmem:s2] =	stream.indirect.scatter.add.f32 [tilespmem:s23], [sflag:$0x1], $0x80, s17, s22, $0xb8;
	[tilespmem:$0x1BA80] =	vst v63  }
0x3e: {  	_ = 	snop  }
0x3f: {  	[spmem:s2] =	stream.indirect.scatter.add.f32 [tilespmem:s24], [sflag:$0x1], $0x80, s3, s22, $0xb8;
	[tilespmem:$0x1BA80] =	vst v63  }
0x40: {  	_ = 	snop  }
0x41: {  	[spmem:s2] =	stream.indirect.scatter.add.f32 [tilespmem:s25], [sflag:$0x1], $0x80, s17, s22, $0xb8;
	[tilespmem:$0x1BA80] =	vst v63  }
0x42: {  	_ = 	snop  }
0x43: {  	[spmem:s2] =	stream.indirect.scatter.add.f32 [tilespmem:s25], [sflag:$0x1], $0x80, s3, s22, $0xb8;
	[tilespmem:$0x1BA80] =	vst v63  }
0x44: {  	_ =	swait.ge [sflag:s21], $0x2800  }
0x45: {  	[sflag:s21] =	ssyncset.done $0x0  }
0x46: {  	[sflag:s21] =	ssyncadd.s32 $0xFFFFD800  }
0x47: {  	_ =	swait.ge [sflag:s21], $0x2800  }
0x48: {  	[sflag:s21] =	ssyncset.done $0x0  }
0x49: {  	[sflag:s21] =	ssyncadd.s32 $0xFFFFD800  }
0x4a: {  	_ =	swait.ge [sflag:s21], $0x2800  }
0x4b: {  	[sflag:s21] =	ssyncset.done $0x0  }
0x4c: {  	[sflag:s21] =	ssyncadd.s32 $0xFFFFD800  }
0x4d: {  	_ =	swait.ge [sflag:s21], $0x2800  }
0x4e: {  	s30 =	simm.s32 $0x14;
	s28 =	simm.s32 $0xA;
	[sflag:s21] =	ssyncset.done $0x0  }
.LBB2_2:
0x4f: {  	s31 =	sadd.s32 s28, s14  }
0x50: {  	[sflag:s21] =	ssyncadd.s32 $0xFFFFD800;
	s0 =	smov.u32 s30;
	s29 =	sadd.s32 $0xA, s30  }
0x51: {  	[tilespmem:s3], [sflag:$0x1] =	stream.linear.gather [hbm4b:s31+s3], $0x50, $0x38;
	[tilespmem:$0x1BA80] =	vst v63  }
0x52: {  	p0 =	sne.s32 s30, $0x4D8;
	s30 =	sadd.s32 s28, s13  }
0x53: {  	[tilespmem:s17], [sflag:$0x1] =	stream.linear.gather [hbm4b:s30+s3], $0x50, $0x38;
	[tilespmem:$0x1BA80] =	vst v63  }
0x54: {  	s30 =	sadd.s32 s28, s12  }
0x55: {  	[tilespmem:s18], [sflag:$0x1] =	stream.linear.gather [hbm4b:s30+s3], $0x50, $0x38;
	[tilespmem:$0x1BA80] =	vst v63  }
0x56: {  	s30 =	sadd.s32 s28, s11  }
0x57: {  	[tilespmem:s19], [sflag:$0x1] =	stream.linear.gather [hbm4b:s30+s3], $0x50, $0x38;
	[tilespmem:$0x1BA80] =	vst v63  }
0x58: {  	s30 =	sadd.s32 s28, s10;
	s28 =	smov.u32 s0  }
0x59: {  	[tilespmem:s20], [sflag:$0x1] =	stream.linear.gather [hbm4b:s30+s3], $0x50, $0x38;
	[tilespmem:$0x1BA80] =	vst v63  }
0x5a: {  	_ =	swait.ge [sflag:s21], $0x50  }
0x5b: {  	[sflag:s21] =	ssyncset.done $0x0  }
0x5c: {  	[sflag:s21] =	ssyncadd.s32 $0xFFFFFFB0  }
0x5d: {  	_ =	swait.ge [sflag:s21], $0x50  }
0x5e: {  	[sflag:s21] =	ssyncset.done $0x0  }
0x5f: {  	[sflag:s21] =	ssyncadd.s32 $0xFFFFFFB0  }
0x60: {  	_ =	swait.ge [sflag:s21], $0x50  }
0x61: {  	[sflag:s21] =	ssyncset.done $0x0  }
0x62: {  	[sflag:s21] =	ssyncadd.s32 $0xFFFFFFB0  }
0x63: {  	_ =	swait.ge [sflag:s21], $0x50  }
0x64: {  	[sflag:s21] =	ssyncset.done $0x0  }
0x65: {  	[sflag:s21] =	ssyncadd.s32 $0xFFFFFFB0  }
0x66: {  	_ =	swait.ge [sflag:s21], $0x50  }
0x67: {  	[sflag:s21] =	ssyncset.done $0x0  }
0x68: {  	[sflag:s21] =	ssyncadd.s32 $0xFFFFFFB0  }
0x69: {  	[tilespmem:s23], [sflag:$0x1] =	stream.indirect.gather [hbm4b:s4+s22], $0x80, s18, s22, $0xb8;
	[tilespmem:$0x1BA80] =	vst v63  }
0x6a: {  	_ = 	snop  }
0x6b: {  	[tilespmem:s24], [sflag:$0x1] =	stream.indirect.gather [hbm4b:s4+s22], $0x80, s19, s22, $0xb8;
	[tilespmem:$0x1BA80] =	vst v63  }
0x6c: {  	_ = 	snop  }
0x6d: {  	[tilespmem:s25], [sflag:$0x1] =	stream.indirect.gather [hbm4b:s5+s22], $0x80, s20, s22, $0xb8;
	[tilespmem:$0x1BA80] =	vst v63  }
0x6e: {  	_ =	swait.ge [sflag:s21], $0x2800  }
0x6f: {  	[sflag:s21] =	ssyncset.done $0x0  }
0x70: {  	[sflag:s21] =	ssyncadd.s32 $0xFFFFD800  }
0x71: {  	_ =	swait.ge [sflag:s21], $0x2800  }
0x72: {  	[sflag:s21] =	ssyncset.done $0x0  }
0x73: {  	[sflag:s21] =	ssyncadd.s32 $0xFFFFD800  }
0x74: {  	_ =	swait.ge [sflag:s21], $0x2800  }
0x75: {  	[sflag:s21] =	ssyncset.done $0x0  }
0x76: {  	[sflag:s21] =	ssyncadd.s32 $0xFFFFD800  }
0x77: {  	[spmem:s2] =	stream.indirect.scatter.add.f32 [tilespmem:s23], [sflag:$0x1], $0x80, s17, s22, $0xb8;
	[tilespmem:$0x1BA80] =	vst v63  }
0x78: {  	_ = 	snop  }
0x79: {  	[spmem:s2] =	stream.indirect.scatter.add.f32 [tilespmem:s24], [sflag:$0x1], $0x80, s3, s22, $0xb8;
	[tilespmem:$0x1BA80] =	vst v63  }
0x7a: {  	_ = 	snop  }
0x7b: {  	[spmem:s2] =	stream.indirect.scatter.add.f32 [tilespmem:s25], [sflag:$0x1], $0x80, s17, s22, $0xb8;
	[tilespmem:$0x1BA80] =	vst v63  }
0x7c: {  	_ = 	snop  }
0x7d: {  	[spmem:s2] =	stream.indirect.scatter.add.f32 [tilespmem:s25], [sflag:$0x1], $0x80, s3, s22, $0xb8;
	[tilespmem:$0x1BA80] =	vst v63  }
0x7e: {  	_ =	swait.ge [sflag:s21], $0x2800  }
0x7f: {  	[sflag:s21] =	ssyncset.done $0x0  }
0x80: {  	[sflag:s21] =	ssyncadd.s32 $0xFFFFD800  }
0x81: {  	_ =	swait.ge [sflag:s21], $0x2800  }
0x82: {  	[sflag:s21] =	ssyncset.done $0x0  }
0x83: {  	[sflag:s21] =	ssyncadd.s32 $0xFFFFD800  }
.Ltmp0:
0x84: {  	_ =	swait.ge [sflag:s21], $0x2800;
	(pc) =	sbr.rel @p0 .LBB2_2-.Ltmp0, $4  }
0x85: {  	[sflag:s21] =	ssyncset.done $0x0  }
0x86: {  	[sflag:s21] =	ssyncadd.s32 $0xFFFFD800  }
0x87: {  	_ =	swait.ge [sflag:s21], $0x2800  }
0x88: {  	s30 =	smov.u32 s29;
	[sflag:s21] =	ssyncset.done $0x0  }
0x89: {  	s0 =	sadd.s32 s28, s14;
	[sflag:s21] =	ssyncadd.s32 $0xFFFFD800  }
0x8a: {  	[tilespmem:s3], [sflag:$0x1] =	stream.linear.gather [hbm4b:s0+s3], $0x50, $0x38;
	[tilespmem:$0x1BA80] =	vst v63  }
0x8b: {  	s31 =	sadd.s32 s28, s13  }
0x8c: {  	[tilespmem:s17], [sflag:$0x1] =	stream.linear.gather [hbm4b:s31+s3], $0x50, $0x38;
	[tilespmem:$0x1BA80] =	vst v63  }
0x8d: {  	s29 =	sadd.s32 s28, s12  }
0x8e: {  	[tilespmem:s18], [sflag:$0x1] =	stream.linear.gather [hbm4b:s29+s3], $0x50, $0x38;
	[tilespmem:$0x1BA80] =	vst v63  }
0x8f: {  	s30 =	sadd.s32 s28, s11  }
0x90: {  	[tilespmem:s19], [sflag:$0x1] =	stream.linear.gather [hbm4b:s30+s3], $0x50, $0x38;
	[tilespmem:$0x1BA80] =	vst v63  }
0x91: {  	s31 =	sadd.s32 s28, s10  }
0x92: {  	[tilespmem:s20], [sflag:$0x1] =	stream.linear.gather [hbm4b:s31+s3], $0x50, $0x38;
	[tilespmem:$0x1BA80] =	vst v63  }
0x93: {  	_ =	swait.ge [sflag:s21], $0x50  }
0x94: {  	[sflag:s21] =	ssyncset.done $0x0  }
0x95: {  	[sflag:s21] =	ssyncadd.s32 $0xFFFFFFB0  }
0x96: {  	_ =	swait.ge [sflag:s21], $0x50  }
0x97: {  	[sflag:s21] =	ssyncset.done $0x0  }
0x98: {  	[sflag:s21] =	ssyncadd.s32 $0xFFFFFFB0  }
0x99: {  	_ =	swait.ge [sflag:s21], $0x50  }
0x9a: {  	[sflag:s21] =	ssyncset.done $0x0  }
0x9b: {  	[sflag:s21] =	ssyncadd.s32 $0xFFFFFFB0  }
0x9c: {  	_ =	swait.ge [sflag:s21], $0x50  }
0x9d: {  	[sflag:s21] =	ssyncset.done $0x0  }
0x9e: {  	[sflag:s21] =	ssyncadd.s32 $0xFFFFFFB0  }
0x9f: {  	_ =	swait.ge [sflag:s21], $0x50  }
0xa0: {  	[sflag:s21] =	ssyncset.done $0x0  }
0xa1: {  	[sflag:s21] =	ssyncadd.s32 $0xFFFFFFB0  }
0xa2: {  	[tilespmem:s23], [sflag:$0x1] =	stream.indirect.gather [hbm4b:s4+s22], $0x80, s18, s22, $0xb8;
	[tilespmem:$0x1BA80] =	vst v63  }
0xa3: {  	_ = 	snop  }
0xa4: {  	[tilespmem:s24], [sflag:$0x1] =	stream.indirect.gather [hbm4b:s4+s22], $0x80, s19, s22, $0xb8;
	[tilespmem:$0x1BA80] =	vst v63  }
0xa5: {  	_ = 	snop  }
0xa6: {  	[tilespmem:s25], [sflag:$0x1] =	stream.indirect.gather [hbm4b:s5+s22], $0x80, s20, s22, $0xb8;
	[tilespmem:$0x1BA80] =	vst v63  }
0xa7: {  	_ =	swait.ge [sflag:s21], $0x2800  }
0xa8: {  	[sflag:s21] =	ssyncset.done $0x0  }
0xa9: {  	[sflag:s21] =	ssyncadd.s32 $0xFFFFD800  }
0xaa: {  	_ =	swait.ge [sflag:s21], $0x2800  }
0xab: {  	[sflag:s21] =	ssyncset.done $0x0  }
0xac: {  	[sflag:s21] =	ssyncadd.s32 $0xFFFFD800  }
0xad: {  	_ =	swait.ge [sflag:s21], $0x2800  }
0xae: {  	[sflag:s21] =	ssyncset.done $0x0  }
0xaf: {  	[sflag:s21] =	ssyncadd.s32 $0xFFFFD800  }
0xb0: {  	[spmem:s2] =	stream.indirect.scatter.add.f32 [tilespmem:s23], [sflag:$0x1], $0x80, s17, s22, $0xb8;
	[tilespmem:$0x1BA80] =	vst v63  }
0xb1: {  	_ = 	snop  }
0xb2: {  	[spmem:s2] =	stream.indirect.scatter.add.f32 [tilespmem:s24], [sflag:$0x1], $0x80, s3, s22, $0xb8;
	[tilespmem:$0x1BA80] =	vst v63  }
0xb3: {  	_ = 	snop  }
0xb4: {  	[spmem:s2] =	stream.indirect.scatter.add.f32 [tilespmem:s25], [sflag:$0x1], $0x80, s17, s22, $0xb8;
	[tilespmem:$0x1BA80] =	vst v63  }
0xb5: {  	_ = 	snop  }
0xb6: {  	[spmem:s2] =	stream.indirect.scatter.add.f32 [tilespmem:s25], [sflag:$0x1], $0x80, s3, s22, $0xb8;
	[tilespmem:$0x1BA80] =	vst v63  }
0xb7: {  	_ =	swait.ge [sflag:s21], $0x2800  }
0xb8: {  	[sflag:s21] =	ssyncset.done $0x0  }
0xb9: {  	[sflag:s21] =	ssyncadd.s32 $0xFFFFD800  }
0xba: {  	_ =	swait.ge [sflag:s21], $0x2800  }
0xbb: {  	[sflag:s21] =	ssyncset.done $0x0  }
0xbc: {  	[sflag:s21] =	ssyncadd.s32 $0xFFFFD800  }
0xbd: {  	_ =	swait.ge [sflag:s21], $0x2800  }
0xbe: {  	[sflag:s21] =	ssyncset.done $0x0  }
0xbf: {  	[sflag:s21] =	ssyncadd.s32 $0xFFFFD800  }
0xc0: {  	_ =	swait.ge [sflag:s21], $0x2800  }
0xc1: {  	s26 =	sadd.s32 $0x1, s26;
	[sflag:s21] =	ssyncset.done $0x0  }
0xc2: {  	p0 =	sne.s32 s26, s9;
	[sflag:s21] =	ssyncadd.s32 $0xFFFFD800  }
.Ltmp1:
0xc3: {  	[bflag:$0x0] =	sbarrier.arrive $0xFFFF;
	(pc) =	sbr.rel @p0 .LBB2_1-.Ltmp1, $4  }
0xc4: {  	[hbm:s8], [sflag:s7] =	dma.local [spmem:s15], $0x2800  }
0xc5: {  	_ =	swait.ge [sflag:s16], $0x2800  }
0xc6: {  	[sflag:s16] =	ssyncset.done $0x0  }
0xc7: {  	[sflag:s16] =	ssyncadd.s32 $0xFFFFD800  }
0xc8: {  	_ =	sfence.sel $0x180000  }
0xc9: {  	[bflag:$0x0] =	sbarrier.arrive $0xFFFF  }
0xca: {  	_ =	strace $0x9000004D  }
0xcb: {  	[bflag:$0x2] =	sbarrier.arrive $0xFFFF  }
0xcc: {  	p0 =	sne.s32 s1, $0x0;
	s0 =	rddreg [dreg:$0x3]  }
0xcd: {  	s0 =	sadd.s32 @!p0 $0x100000, s0  }
0xce: {  	[sflag:s0] =	ssyncadd.tile.s32 @!p0 $0x1;
	_ =	shalt  }
.Lfunc_end2:
_tile_overlayer_lowered:
.L_overlay_start_2:
0xcf: {  	(tag) =	ssettag $0x2  }
0xd0: {  	s0 =	rddreg [dreg:$0x0];
	s2 =	stileid.u32  }
0xd1: {  	s1 =	rddreg [dreg:$0x1];
	p0 =	sne.s32 s2, $0x0  }
0xd2: {  	s3 =	rddreg [dreg:$0x2];
	[bflag:$0x3] =	sbarrier.arrive $0xFFFF;
	s2 =	simm.s32 @!p0 $0x1C02  }
0xd3: {  	[timem:s3], [sflag:s2] =	dma.local @!p0 [hbm:s0], s1  }
0xd4: {  	s0 =	simm.s32 @!p0 $0x2  }
0xd5: {  	_ =	swait.ge @!p0 [sflag:s0], s1  }
0xd6: {  	s1 =	ssub.s32 @!p0 $0x0, s1;
	[sflag:s0] =	ssyncset.done @!p0 $0x0  }
0xd7: {  	[sflag:s0] =	ssyncadd.s32 @!p0 s1  }
0xd8: {  	[bflag:$0x3] =	sbarrier.arrive $0xFFFF  }
0xd9: {  	_ =	shalt  }

// kernel: kernel.14.cloned.1.call-start
scs
__scs_entry_jumppad:
0x0: {  	(pc) =	sbr.rel $0x88, $3  }
0x1: {  	(tag) =	ssettag $0x0;
	lr =	simm.s32 $0x1  }
0x2: {  	[smem:$0x3F98] =	sst lr;
	_ =	strace $0xD0000000  }
0x3: {  	_ = 	snop  }
0x4: {  	_ = 	snop  }
0x5: {  	_ = 	snop  }
0x6: {  	_ = 	snop  }
0x7: {  	_ = 	snop  }
__scs_overlays_trampoline_lowered:
0x8: {  	[smem:$0x3FA7] =	sst s0  }
0x9: {  	[smem:$0x3FA8] =	sst s1  }
0xa: {  	[smem:$0x3FA9] =	sst s2  }
0xb: {  	[smem:$0x3FAA] =	sst s3  }
0xc: {  	[smem:$0x3FAB] =	sst s4  }
0xd: {  	[smem:$0x3FAC] =	sst s5  }
0xe: {  	[smem:$0x3FAD] =	sst s6  }
0xf: {  	[smem:$0x3FAE] =	sst s7  }
0x10: {  	[smem:$0x3FAF] =	sst s8  }
0x11: {  	[smem:$0x3FB0] =	sst s9;
	s0 =	simm.s32 @!p0 $0x0  }
0x12: {  	s1 =	sld [smem:$0x3F96];
	s0 =	simm.s32 @p0 $0x1  }
0x13: {  	[smem:$0x3FB1] =	sst s0;
	s0 =	simm.s32 @!p1 $0x0  }
0x14: {  	s2 =	sld [smem:$0x3F95];
	s0 =	simm.s32 @p1 $0x1  }
0x15: {  	[smem:$0x3FB2] =	sst s0;
	s0 =	simm.s32 @!p2 $0x0  }
0x16: {  	s3 =	sld [smem:$0x3FDB];
	s0 =	simm.s32 @p2 $0x1  }
0x17: {  	s4 =	simm.s32 $0x1BF5;
	[smem:$0x3FB4] =	sst s0  }
0x18: {  	s0 =	sld [smem:$0x3F97];
	_ =	swait.ge [sflag:s4], $0x0  }
0x19: {  	s7 =	sld [smem:$0x3F98]  }
0x1a: {  	s8 =	sadd.s32 $0xFFFFE003, lr  }
0x1b: {  	s9 =	sadd.s32 $0xFFFFFEF7, lr;
	s5 =	simm.s32 $0xFFFFFFFF;
	p2 =	slt.u32 s8, $0xFFFFF086  }
0x1c: {  	p1 =	slt.u32 s9, $0xF7A;
	s5 =	simm.s32 @!p2 $0x0  }
0x1d: {  	s5 =	simm.s32 @p1 $0x1;
	p0 =	seq.s32 s7, s2  }
0x1e: {  	s7 =	smul.u32 @!p0 $0xF7A, s2;
	p2 =	seq.s32 @!p0 s5, $0x0  }
0x1f: {  	s9 =	smul.u32 $0xF7A, s1;
	s8 =	simm.s32 @!p0 $0x1BF5;
	p2 =	por !p2, p0  }
0x20: {  	[sflag:s8] =	ssyncset.s32 @!p0 $0xFFFFF086;
	s6 =	sadd.s32 @!p0 s3, s7;
	s7 =	simm.s32 @!p0 $0x108  }
0x21: {  	s3 =	sadd.s32 s3, s9;
	s6 =	sadd.s32 @!p0 $0x88, s6;
	s7 =	simm.s32 @p2 $0x1082  }
0x22: {  	[simem:s7], [sflag:s8] =	dma.local @!p0 [hbm:s6], $0xF7A  }
0x23: {  	s9 =	sor.u32 $0xD0000000, s2;
	s6 =	simm.s32 $0x108;
	_ =	swait.ge @!p0 [sflag:s8], $0x0  }
0x24: {  	s3 =	sadd.s32 $0x88, s3;
	s6 =	simm.s32 @!p1 $0x1082;
	[sflag:s4] =	ssyncset.s32 $0xFFFFF086  }
0x25: {  	[simem:s6], [sflag:s4] =	dma.local [hbm:s3], $0xF7A  }
0x26: {  	[smem:$0x3F98] =	sst s1;
	(tag) =	ssettag s2;
	_ =	strace s9  }
0x27: {  	s1 =	sld [smem:$0x3FA8]  }
0x28: {  	s2 =	sld [smem:$0x3FA9]  }
0x29: {  	s4 =	sld [smem:$0x3FAB]  }
0x2a: {  	p0 =	seq.s32 s5, $0x0;
	s5 =	sld [smem:$0x3FAC]  }
0x2b: {  	s6 =	sld [smem:$0x3FAD]  }
0x2c: {  	s7 =	sld [smem:$0x3FAE]  }
0x2d: {  	s3 =	simm.s32 $0x108;
	s8 =	sld [smem:$0x3FAF]  }
0x2e: {  	s3 =	simm.s32 @!p0 $0x1082;
	s9 =	sld [smem:$0x3FB0]  }
0x2f: {  	lr =	sadd.s32 s0, s3;
	s0 =	sld [smem:$0x3FA7]  }
0x30: {  	s3 =	sld [smem:$0x3FAA]  }
0x31: {  	[smem:$0x3FB3] =	sst s10  }
0x32: {  	s10 =	sld [smem:$0x3FB1];
	_ =	sdelay $0x3  }
0x33: {  	p0 =	seq.s32 s10, $0x1;
	s10 =	sld [smem:$0x3FB3];
	_ =	sdelay $0x3  }
0x34: {  	[smem:$0x3FB3] =	sst s10  }
0x35: {  	s10 =	sld [smem:$0x3FB2];
	_ =	sdelay $0x3  }
0x36: {  	p1 =	seq.s32 s10, $0x1;
	s10 =	sld [smem:$0x3FB3];
	_ =	sdelay $0x3  }
0x37: {  	[smem:$0x3FB3] =	sst s10  }
0x38: {  	s10 =	sld [smem:$0x3FB4]  }
0x39: {  	_ = 	snop;
	(pc) =	sbr.ind lr, $3  }
0x3a: {  	_ = 	snop  }
0x3b: {  	_ = 	snop  }
0x3c: {  	p2 =	seq.s32 s10, $0x1;
	s10 =	sld [smem:$0x3FB3]  }
0x3d: {  	_ =	shalt  }
0x3e: {  	_ =	shalt  }
0x3f: {  	_ =	shalt  }
0x40: {  	_ =	shalt  }
0x41: {  	_ =	shalt  }
0x42: {  	_ =	shalt  }
0x43: {  	_ =	shalt  }
0x44: {  	_ =	shalt  }
0x45: {  	_ =	shalt  }
0x46: {  	_ =	shalt  }
0x47: {  	_ =	shalt  }
0x48: {  	_ =	shalt  }
0x49: {  	_ =	shalt  }
0x4a: {  	_ =	shalt  }
0x4b: {  	_ =	shalt  }
0x4c: {  	_ =	shalt  }
0x4d: {  	_ =	shalt  }
0x4e: {  	_ =	shalt  }
0x4f: {  	_ =	shalt  }
0x50: {  	_ =	shalt  }
0x51: {  	_ =	shalt  }
0x52: {  	_ =	shalt  }
0x53: {  	_ =	shalt  }
0x54: {  	_ =	shalt  }
0x55: {  	_ =	shalt  }
0x56: {  	_ =	shalt  }
0x57: {  	_ =	shalt  }
0x58: {  	_ =	shalt  }
0x59: {  	_ =	shalt  }
0x5a: {  	_ =	shalt  }
0x5b: {  	_ =	shalt  }
0x5c: {  	_ =	shalt  }
0x5d: {  	_ =	shalt  }
0x5e: {  	_ =	shalt  }
0x5f: {  	_ =	shalt  }
0x60: {  	_ =	shalt  }
0x61: {  	_ =	shalt  }
0x62: {  	_ =	shalt  }
0x63: {  	_ =	shalt  }
0x64: {  	_ =	shalt  }
0x65: {  	_ =	shalt  }
0x66: {  	_ =	shalt  }
0x67: {  	_ =	shalt  }
0x68: {  	_ =	shalt  }
0x69: {  	_ =	shalt  }
0x6a: {  	_ =	shalt  }
0x6b: {  	_ =	shalt  }
0x6c: {  	_ =	shalt  }
0x6d: {  	_ =	shalt  }
0x6e: {  	_ =	shalt  }
0x6f: {  	_ =	shalt  }
0x70: {  	_ =	shalt  }
0x71: {  	_ =	shalt  }
0x72: {  	_ =	shalt  }
0x73: {  	_ =	shalt  }
0x74: {  	_ =	shalt  }
0x75: {  	_ =	shalt  }
0x76: {  	_ =	shalt  }
0x77: {  	_ =	shalt  }
0x78: {  	_ =	shalt  }
0x79: {  	_ =	shalt  }
0x7a: {  	_ =	shalt  }
0x7b: {  	_ =	shalt  }
0x7c: {  	_ =	shalt  }
0x7d: {  	_ =	shalt  }
0x7e: {  	_ =	shalt  }
0x7f: {  	_ =	shalt  }
0x80: {  	_ =	shalt  }
0x81: {  	_ =	shalt  }
0x82: {  	_ =	shalt  }
0x83: {  	_ =	shalt  }
0x84: {  	_ =	shalt  }
0x85: {  	_ =	shalt  }
0x86: {  	_ =	shalt  }
0x87: {  	_ =	shalt  }
.Lfunc_end0:
.L_simem_size_0:
called_computation.2_lowered:
.L_overlay_start_0:
0x88: {  	s2 =	sld [smem:$0x3FD9]  }
0x89: {  	s3 =	sld [smem:$0x3FFE];
	_ =	sdelay $0x1  }
0x8a: {  	s1 =	srdreg.scid  }
0x8b: {  	s0 =	sand.u32 $0x1, s1  }
0x8c: {  	s17 =	sshll.u32 s0, $0xA;
	s2 =	sadd.s32 s3, s2  }
0x8d: {  	s2 =	sadd.s32 s2, s17  }
0x8e: {  	[smem:$0x3FBF] =	sst s2  }
0x8f: {  	_ = 	snop  }
0x90: {  	(tm) =	ssettm $0x1  }
0x91: {  	s18 =	sld [smem:$0x3FFB];
	_ =	sdelay $0x3  }
0x92: {  	_ =	strace s18  }
0x93: {  	s2 =	sld [smem:$0x3FFC];
	_ =	sdelay $0x3  }
0x94: {  	_ =	strace s2  }
0x95: {  	s2 =	sld [smem:$0x3FFD];
	_ =	sdelay $0x3  }
0x96: {  	_ =	strace s2  }
0x97: {  	_ =	strace $0x8FFFFFFF  }
0x98: {  	s19 =	sld [smem:$0x3FDB];
	_ =	sdelay $0x1  }
0x99: {  	s20 =	simm.s32 $_scs_section_size  }
0x9a: {  	s4 =	simm.s32 $_size__tile_overlayer_lowered;
	s5 =	simm.s32 $_tile_overlayer_lowered  }
0x9b: {  	s6 =	simm.s32 $0x1BFF;
	s21 =	sshll.u32 s5, $0x1;
	s3 =	sadd.s32 s20, s19  }
0x9c: {  	s22 =	simm.s32 $0x0;
	s4 =	sshll.u32 s4, $0x1;
	s5 =	sadd.s32 s21, s3  }
0x9d: {  	[timem:s22], [sflag:s6] =	dma.local [hbm:s5], s4  }
0x9e: {  	_ =	swait.ge [sflag:s6], s4  }
0x9f: {  	s4 =	ssub.s32 $0x0, s4;
	[sflag:s6] =	ssyncset.done $0x0  }
0xa0: {  	[sflag:s6] =	ssyncadd.s32 s4;
	_ =	sdelay $0x1  }
0xa1: {  	s23 =	simm.s32 $0x1B8B  }
0xa2: {  	_ =	swait.ge [sflag:s23], $0x1  }
0xa3: {  	[sflag:s23] =	ssyncset.done $0x0  }
0xa4: {  	[sflag:s23] =	ssyncadd.s32 $0xFFFFFFFF  }
0xa5: {  	s4 =	sld [smem:$0x0]  }
0xa6: {  	s5 =	sand.u32 $0xFFFFFFFE, s1  }
0xa7: {  	p0 =	sne.s32 s1, s5  }
0xa8: {  	s5 =	sshll.u32 @p0 s5, $0xE  }
0xa9: {  	s5 =	sadd.s32 @p0 $0x11B8D, s5;
	s6 =	sshll.u32 @p0 s4, $0x11  }
0xaa: {  	s5 =	sor.u32 @p0 s6, s5  }
0xab: {  	[sflag:s5] =	ssyncadd.remote.s32 @p0 $0x1;
	_ =	sdelay $0x1  }
0xac: {  	s5 =	simm.s32 @p0 $0x1B8D  }
0xad: {  	_ =	swait.eq @p0 [sflag:s5], $0x1  }
0xae: {  	[sflag:s5] =	ssyncadd.s32 @p0 $0xFFFFFFFF  }
0xaf: {  	s6 =	sshll.u32 @!p0 s1, $0xE  }
0xb0: {  	s6 =	sor.u32 @!p0 $0x4000, s6;
	s5 =	simm.s32 @!p0 $0x1B8D  }
0xb1: {  	s4 =	sshll.u32 @!p0 s4, $0x11;
	s6 =	sadd.s32 @!p0 $0x11B8D, s6;
	_ =	swait.eq @!p0 [sflag:s5], $0x1  }
0xb2: {  	s4 =	sor.u32 @!p0 s4, s6;
	[sflag:s5] =	ssyncadd.s32 @!p0 $0xFFFFFFFF  }
0xb3: {  	s25 =	simm.s32 $0x1B8E;
	s24 =	sld [smem:$0x3FFE];
	[sflag:s4] =	ssyncadd.remote.s32 @!p0 $0x1  }
0xb4: {  	s26 =	simm.s32 $execute0_lowered;
	[smem:$0x3FD2] =	sst s25  }
0xb5: {  	s5 =	sshll.u32 s26, $0x1;
	_ =	strace $0x80000049;
	[dreg:$0x1] =	wrdreg $0xFFFFFFFF  }
0xb6: {  	s28 =	simm.s32 $_size_execute0_lowered;
	s3 =	sadd.s32 s3, s5;
	[dreg:$0x0] =	wrdreg $0x0  }
0xb7: {  	s5 =	sshll.u32 s28, $0x1;
	[dreg:$0x2] =	wrdreg s3  }
0xb8: {  	[dreg:$0x3] =	wrdreg s5  }
0xb9: {  	[dreg:$0x4] =	wrdreg $0xC0  }
0xba: {  	_ =	task [dreg:s22], $0x5FFFF  }
0xbb: {  	[dreg:$0x1] =	wrdreg $0xFFFFFFFF  }
0xbc: {  	[dreg:$0x0] =	wrdreg $0x60  }
0xbd: {  	[dreg:$0x2] =	wrdreg s24  }
0xbe: {  	[dreg:$0x3] =	wrdreg $0x52000  }
0xbf: {  	[dreg:$0x4] =	wrdreg $0x9  }
0xc0: {  	_ =	task.clear_ibuf [dreg:s22], $0x5FFFF;
	_ =	strace $0x90000049  }
0xc1: {  	s29 =	simm.s32 $0x9;
	_ =	strace $0x8000004B  }
0xc2: {  	_ =	swait.ge [sflag:s29], $0x1  }
0xc3: {  	[sflag:s29] =	ssyncadd.s32 $0xFFFFFFFF  }
0xc4: {  	_ =	strace $0x9000004B  }
0xc5: {  	_ =	sfence  }
0xc6: {  	s30 =	sld [smem:$0x0];
	_ =	sdelay $0x2  }
0xc7: {  	s31 =	sshll.u32 s1, $0xD;
	s1 =	sshrl.u32 s1, $0x2  }
0xc8: {  	s4 =	sand.u32 $0x4000, s31;
	s1 =	sadd.s32 s1, s30  }
0xc9: {  	s0 =	sor.u32 s4, s0;
	s1 =	sshll.u32 s1, $0x11  }
0xca: {  	s0 =	sor.u32 s1, s0  }
0xcb: {  	s0 =	sadd.s32 $0x8F2B, s0  }
0xcc: {  	[sflag:s0] =	ssyncadd.remote.s32 $0x1  }
0xcd: {  	_ =	sfence.sel $0xFFFF  }
0xce: {  	[dreg:$0x0] =	wrdreg $0xFFFFFFFF;
	(pc) =	sbr.abs _section_cstart, $3  }
0xcf: {  	[dreg:$0x1] =	wrdreg $0xFFFFFFFF  }
0xd0: {  	_ =	task.clear_ibuf [dreg:s22], $0x2FFFF;
	_ =	strace $0x9FFFFFFF  }
0xd1: {  	(tm) =	ssettm $0x7FFFFFFF  }
tec
execute0_lowered:
.L_overlay_start_1:
0x0: {  	(tag) =	ssettag $0x1  }
0x1: {  	s6 =	rddreg [dreg:$0x0]  }
0x2: {  	s0 =	srdreg.scid;
	s2 =	rddreg [dreg:$0x1]  }
0x3: {  	s1 =	rddreg [dreg:$0x2];
	s3 =	simm.s32 $0x0;
	s14 =	simm.s32 $0x2  }
0x4: {  	s15 =	simm.s32 $0x80;
	s16 =	simm.s32 $0x100;
	s5 =	sand.u32 $0x1, s0  }
0x5: {  	s17 =	simm.s32 $0x180;
	s0 =	stileid.u32;
	s4 =	smul.u32 $0x27100, s5  }
0x6: {  	s18 =	simm.s32 $0x1;
	s19 =	simm.s32 $0x50;
	s7 =	smul.u32 $0x2710, s0  }
0x7: {  	s20 =	simm.s32 $0x200;
	s21 =	simm.s32 $0x2A00;
	s8 =	smul.u32 $0x14000, s5  }
0x8: {  	s22 =	simm.s32 $0x0;
	[smem:$0x7FF] =	sst s3;
	s26 =	smul.u32 $0x1400, s0  }
0x9: {  	_ =	strace $0x8000004A;
	s28 =	ssub.s32 $0x2, s5;
	s9 =	smul.u32 $0x5000, s0  }
0xa: {  	s5 =	sadd.s32 $0xA2800, s6;
	s31 =	sshll.u32 s0, $0x6;
	s29 =	sshrl.u32 s28, $0x1  }
0xb: {  	s4 =	sadd.s32 s7, s4;
	s7 =	sadd.s32 s26, s8;
	s8 =	ssub.s32 s28, s29  }
0xc: {  	s30 =	sshrl.u32 s9, $0x2;
	s4 =	sshrl.u32 s4, $0x3;
	s7 =	sshrl.u32 s7, $0x3  }
0xd: {  	s13 =	sadd.s32 s30, s2;
	s8 =	smax.u32 s8, $0x1;
	s12 =	sadd.s32 s4, s6  }
0xe: {  	s4 =	sadd.s32 $0x67200, s6;
	s7 =	sadd.s32 s7, s6;
	s6 =	sor.u32 $0x1C02, s31  }
0xf: {  	s13 =	sshrl.u32 s13, $0x3;
	s7 =	sadd.s32 $0xA2C00, s7;
	s9 =	sadd.s32 $0x67400, s12  }
0x10: {  	s10 =	sadd.s32 $0x71200, s12;
	s11 =	sadd.s32 $0x7B000, s12;
	s12 =	sadd.s32 $0x84E00, s12  }
.LBB2_1:
0x11: {  	[spmem:s13], [sflag:s6] =	dma.local [hbm:s5], $0x280  }
0x12: {  	_ =	swait.ge [sflag:s14], $0x280  }
0x13: {  	[sflag:s14] =	ssyncset.done $0x0  }
0x14: {  	[sflag:s14] =	ssyncadd.s32 $0xFFFFFD80  }
0x15: {  	s23 =	sadd.s32 $0x0, s12;
	[bflag:$0x0] =	sbarrier.arrive $0xFFFF  }
0x16: {  	[tilespmem:s3], [sflag:$0x1] =	stream.linear.gather [hbm4b:s23+s3], $0x50, $0x38;
	[tilespmem:$0x6600] =	vst v63  }
0x17: {  	s29 =	sadd.s32 $0x0, s11  }
0x18: {  	[tilespmem:s15], [sflag:$0x1] =	stream.linear.gather [hbm4b:s29+s3], $0x50, $0x38;
	[tilespmem:$0x6600] =	vst v63  }
0x19: {  	s30 =	sadd.s32 $0x0, s10  }
0x1a: {  	[tilespmem:s16], [sflag:$0x1] =	stream.linear.gather [hbm4b:s30+s3], $0x50, $0x38;
	[tilespmem:$0x6600] =	vst v63  }
0x1b: {  	s31 =	sadd.s32 $0x0, s9  }
0x1c: {  	[tilespmem:s17], [sflag:$0x1] =	stream.linear.gather [hbm4b:s31+s3], $0x50, $0x38;
	[tilespmem:$0x6600] =	vst v63  }
0x1d: {  	_ =	swait.ge [sflag:s18], $0x50  }
0x1e: {  	[sflag:s18] =	ssyncset.done $0x0  }
0x1f: {  	[sflag:s18] =	ssyncadd.s32 $0xFFFFFFB0  }
0x20: {  	_ =	swait.ge [sflag:s18], $0x50  }
0x21: {  	[sflag:s18] =	ssyncset.done $0x0  }
0x22: {  	[sflag:s18] =	ssyncadd.s32 $0xFFFFFFB0  }
0x23: {  	_ =	swait.ge [sflag:s18], $0x50  }
0x24: {  	[sflag:s18] =	ssyncset.done $0x0  }
0x25: {  	[sflag:s18] =	ssyncadd.s32 $0xFFFFFFB0  }
0x26: {  	_ =	swait.ge [sflag:s18], $0x50  }
0x27: {  	[sflag:s18] =	ssyncset.done $0x0  }
0x28: {  	[sflag:s18] =	ssyncadd.s32 $0xFFFFFFB0  }
0x29: {  	[tilespmem:s20], [sflag:$0x1] =	stream.indirect.gather [hbm4b:s4+s19], $0x80, s15, s19, $0xb8;
	[tilespmem:$0x6600] =	vst v63  }
0x2a: {  	_ = 	snop  }
0x2b: {  	[tilespmem:s21], [sflag:$0x1] =	stream.indirect.gather [hbm4b:s4+s19], $0x80, s17, s19, $0xb8;
	[tilespmem:$0x6600] =	vst v63  }
0x2c: {  	_ =	swait.ge [sflag:s18], $0x2800  }
0x2d: {  	[sflag:s18] =	ssyncset.done $0x0  }
0x2e: {  	[sflag:s18] =	ssyncadd.s32 $0xFFFFD800  }
0x2f: {  	_ =	swait.ge [sflag:s18], $0x2800  }
0x30: {  	[sflag:s18] =	ssyncset.done $0x0  }
0x31: {  	[sflag:s18] =	ssyncadd.s32 $0xFFFFD800  }
0x32: {  	[spmem:s2] =	stream.indirect.scatter.add.f32 [tilespmem:s20], [sflag:$0x1], $0x80, s3, s19, $0xb8;
	[tilespmem:$0x6600] =	vst v63  }
0x33: {  	_ = 	snop  }
0x34: {  	[spmem:s2] =	stream.indirect.scatter.add.f32 [tilespmem:s21], [sflag:$0x1], $0x80, s16, s19, $0xb8;
	[tilespmem:$0x6600] =	vst v63  }
0x35: {  	_ =	swait.ge [sflag:s18], $0x2800  }
0x36: {  	[sflag:s18] =	ssyncset.done $0x0  }
0x37: {  	[sflag:s18] =	ssyncadd.s32 $0xFFFFD800  }
0x38: {  	_ =	swait.ge [sflag:s18], $0x2800  }
0x39: {  	s25 =	simm.s32 $0x14;
	s23 =	simm.s32 $0xA;
	[sflag:s18] =	ssyncset.done $0x0  }
.LBB2_2:
0x3a: {  	s26 =	sadd.s32 s23, s12  }
0x3b: {  	[sflag:s18] =	ssyncadd.s32 $0xFFFFD800;
	s28 =	smov.u32 s25;
	s24 =	sadd.s32 $0xA, s25  }
0x3c: {  	[tilespmem:s3], [sflag:$0x1] =	stream.linear.gather [hbm4b:s26+s3], $0x50, $0x38;
	[tilespmem:$0x6600] =	vst v63  }
0x3d: {  	p0 =	sne.s32 s25, $0x4D8;
	s25 =	sadd.s32 s23, s11  }
0x3e: {  	[tilespmem:s15], [sflag:$0x1] =	stream.linear.gather [hbm4b:s25+s3], $0x50, $0x38;
	[tilespmem:$0x6600] =	vst v63  }
0x3f: {  	s25 =	sadd.s32 s23, s10  }
0x40: {  	[tilespmem:s16], [sflag:$0x1] =	stream.linear.gather [hbm4b:s25+s3], $0x50, $0x38;
	[tilespmem:$0x6600] =	vst v63  }
0x41: {  	s25 =	sadd.s32 s23, s9;
	s23 =	smov.u32 s28  }
0x42: {  	[tilespmem:s17], [sflag:$0x1] =	stream.linear.gather [hbm4b:s25+s3], $0x50, $0x38;
	[tilespmem:$0x6600] =	vst v63  }
0x43: {  	_ =	swait.ge [sflag:s18], $0x50  }
0x44: {  	[sflag:s18] =	ssyncset.done $0x0  }
0x45: {  	[sflag:s18] =	ssyncadd.s32 $0xFFFFFFB0  }
0x46: {  	_ =	swait.ge [sflag:s18], $0x50  }
0x47: {  	[sflag:s18] =	ssyncset.done $0x0  }
0x48: {  	[sflag:s18] =	ssyncadd.s32 $0xFFFFFFB0  }
0x49: {  	_ =	swait.ge [sflag:s18], $0x50  }
0x4a: {  	[sflag:s18] =	ssyncset.done $0x0  }
0x4b: {  	[sflag:s18] =	ssyncadd.s32 $0xFFFFFFB0  }
0x4c: {  	_ =	swait.ge [sflag:s18], $0x50  }
0x4d: {  	[sflag:s18] =	ssyncset.done $0x0  }
0x4e: {  	[sflag:s18] =	ssyncadd.s32 $0xFFFFFFB0  }
0x4f: {  	[tilespmem:s20], [sflag:$0x1] =	stream.indirect.gather [hbm4b:s4+s19], $0x80, s15, s19, $0xb8;
	[tilespmem:$0x6600] =	vst v63  }
0x50: {  	_ = 	snop  }
0x51: {  	[tilespmem:s21], [sflag:$0x1] =	stream.indirect.gather [hbm4b:s4+s19], $0x80, s17, s19, $0xb8;
	[tilespmem:$0x6600] =	vst v63  }
0x52: {  	_ =	swait.ge [sflag:s18], $0x2800  }
0x53: {  	[sflag:s18] =	ssyncset.done $0x0  }
0x54: {  	[sflag:s18] =	ssyncadd.s32 $0xFFFFD800  }
0x55: {  	_ =	swait.ge [sflag:s18], $0x2800  }
0x56: {  	[sflag:s18] =	ssyncset.done $0x0  }
0x57: {  	[sflag:s18] =	ssyncadd.s32 $0xFFFFD800  }
0x58: {  	[spmem:s2] =	stream.indirect.scatter.add.f32 [tilespmem:s20], [sflag:$0x1], $0x80, s3, s19, $0xb8;
	[tilespmem:$0x6600] =	vst v63  }
0x59: {  	_ = 	snop  }
0x5a: {  	[spmem:s2] =	stream.indirect.scatter.add.f32 [tilespmem:s21], [sflag:$0x1], $0x80, s16, s19, $0xb8;
	[tilespmem:$0x6600] =	vst v63  }
.Ltmp0:
0x5b: {  	_ =	swait.ge [sflag:s18], $0x2800;
	(pc) =	sbr.rel @p0 .LBB2_2-.Ltmp0, $4  }
0x5c: {  	[sflag:s18] =	ssyncset.done $0x0  }
0x5d: {  	[sflag:s18] =	ssyncadd.s32 $0xFFFFD800  }
0x5e: {  	_ =	swait.ge [sflag:s18], $0x2800  }
0x5f: {  	s25 =	smov.u32 s24;
	[sflag:s18] =	ssyncset.done $0x0  }
0x60: {  	s24 =	sadd.s32 s23, s12;
	[sflag:s18] =	ssyncadd.s32 $0xFFFFD800  }
0x61: {  	[tilespmem:s3], [sflag:$0x1] =	stream.linear.gather [hbm4b:s24+s3], $0x50, $0x38;
	[tilespmem:$0x6600] =	vst v63  }
0x62: {  	s29 =	sadd.s32 s23, s11  }
0x63: {  	[tilespmem:s15], [sflag:$0x1] =	stream.linear.gather [hbm4b:s29+s3], $0x50, $0x38;
	[tilespmem:$0x6600] =	vst v63  }
0x64: {  	s30 =	sadd.s32 s23, s10  }
0x65: {  	[tilespmem:s16], [sflag:$0x1] =	stream.linear.gather [hbm4b:s30+s3], $0x50, $0x38;
	[tilespmem:$0x6600] =	vst v63  }
0x66: {  	s31 =	sadd.s32 s23, s9  }
0x67: {  	[tilespmem:s17], [sflag:$0x1] =	stream.linear.gather [hbm4b:s31+s3], $0x50, $0x38;
	[tilespmem:$0x6600] =	vst v63  }
0x68: {  	_ =	swait.ge [sflag:s18], $0x50  }
0x69: {  	[sflag:s18] =	ssyncset.done $0x0  }
0x6a: {  	[sflag:s18] =	ssyncadd.s32 $0xFFFFFFB0  }
0x6b: {  	_ =	swait.ge [sflag:s18], $0x50  }
0x6c: {  	[sflag:s18] =	ssyncset.done $0x0  }
0x6d: {  	[sflag:s18] =	ssyncadd.s32 $0xFFFFFFB0  }
0x6e: {  	_ =	swait.ge [sflag:s18], $0x50  }
0x6f: {  	[sflag:s18] =	ssyncset.done $0x0  }
0x70: {  	[sflag:s18] =	ssyncadd.s32 $0xFFFFFFB0  }
0x71: {  	_ =	swait.ge [sflag:s18], $0x50  }
0x72: {  	[sflag:s18] =	ssyncset.done $0x0  }
0x73: {  	[sflag:s18] =	ssyncadd.s32 $0xFFFFFFB0  }
0x74: {  	[tilespmem:s20], [sflag:$0x1] =	stream.indirect.gather [hbm4b:s4+s19], $0x80, s15, s19, $0xb8;
	[tilespmem:$0x6600] =	vst v63  }
0x75: {  	_ = 	snop  }
0x76: {  	[tilespmem:s21], [sflag:$0x1] =	stream.indirect.gather [hbm4b:s4+s19], $0x80, s17, s19, $0xb8;
	[tilespmem:$0x6600] =	vst v63  }
0x77: {  	_ =	swait.ge [sflag:s18], $0x2800  }
0x78: {  	[sflag:s18] =	ssyncset.done $0x0  }
0x79: {  	[sflag:s18] =	ssyncadd.s32 $0xFFFFD800  }
0x7a: {  	_ =	swait.ge [sflag:s18], $0x2800  }
0x7b: {  	[sflag:s18] =	ssyncset.done $0x0  }
0x7c: {  	[sflag:s18] =	ssyncadd.s32 $0xFFFFD800  }
0x7d: {  	[spmem:s2] =	stream.indirect.scatter.add.f32 [tilespmem:s20], [sflag:$0x1], $0x80, s3, s19, $0xb8;
	[tilespmem:$0x6600] =	vst v63  }
0x7e: {  	_ = 	snop  }
0x7f: {  	[spmem:s2] =	stream.indirect.scatter.add.f32 [tilespmem:s21], [sflag:$0x1], $0x80, s16, s19, $0xb8;
	[tilespmem:$0x6600] =	vst v63  }
0x80: {  	_ =	swait.ge [sflag:s18], $0x2800  }
0x81: {  	[sflag:s18] =	ssyncset.done $0x0  }
0x82: {  	[sflag:s18] =	ssyncadd.s32 $0xFFFFD800  }
0x83: {  	_ =	swait.ge [sflag:s18], $0x2800  }
0x84: {  	s22 =	sadd.s32 $0x1, s22;
	[sflag:s18] =	ssyncset.done $0x0  }
0x85: {  	p0 =	sne.s32 s22, s8;
	[sflag:s18] =	ssyncadd.s32 $0xFFFFD800  }
.Ltmp1:
0x86: {  	[bflag:$0x0] =	sbarrier.arrive $0xFFFF;
	(pc) =	sbr.rel @p0 .LBB2_1-.Ltmp1, $4  }
0x87: {  	[hbm:s7], [sflag:s6] =	dma.local [spmem:s13], $0x280  }
0x88: {  	_ =	swait.ge [sflag:s14], $0x280  }
0x89: {  	[sflag:s14] =	ssyncset.done $0x0  }
0x8a: {  	[sflag:s14] =	ssyncadd.s32 $0xFFFFFD80  }
0x8b: {  	_ =	sfence.sel $0x180000  }
0x8c: {  	[bflag:$0x0] =	sbarrier.arrive $0xFFFF  }
0x8d: {  	p0 =	sne.s32 s0, $0x0;
	_ =	strace $0x9000004A  }
0x8e: {  	s0 =	sadd.s32 @!p0 $0x100000, s1;
	[bflag:$0x2] =	sbarrier.arrive $0xFFFF  }
0x8f: {  	[sflag:s0] =	ssyncadd.tile.s32 @!p0 $0x1;
	_ =	shalt  }
.Lfunc_end2:
_tile_overlayer_lowered:
.L_overlay_start_2:
0x90: {  	(tag) =	ssettag $0x2  }
0x91: {  	s0 =	rddreg [dreg:$0x0];
	s2 =	stileid.u32  }
0x92: {  	s1 =	rddreg [dreg:$0x1];
	p0 =	sne.s32 s2, $0x0  }
0x93: {  	s3 =	rddreg [dreg:$0x2];
	[bflag:$0x3] =	sbarrier.arrive $0xFFFF;
	s2 =	simm.s32 @!p0 $0x1C02  }
0x94: {  	[timem:s3], [sflag:s2] =	dma.local @!p0 [hbm:s0], s1  }
0x95: {  	s0 =	simm.s32 @!p0 $0x2  }
0x96: {  	_ =	swait.ge @!p0 [sflag:s0], s1  }
0x97: {  	s1 =	ssub.s32 @!p0 $0x0, s1;
	[sflag:s0] =	ssyncset.done @!p0 $0x0  }
0x98: {  	[sflag:s0] =	ssyncadd.s32 @!p0 s1  }
0x99: {  	[bflag:$0x3] =	sbarrier.arrive $0xFFFF  }
0x9a: {  	_ =	shalt  }

// kernel: kernel.17.cloned.1.call-start
scs
__scs_entry_jumppad:
0x0: {  	(pc) =	sbr.rel $0x88, $3  }
0x1: {  	(tag) =	ssettag $0x0;
	lr =	simm.s32 $0x1  }
0x2: {  	[smem:$0x3F98] =	sst lr;
	_ =	strace $0xD0000000  }
0x3: {  	_ = 	snop  }
0x4: {  	_ = 	snop  }
0x5: {  	_ = 	snop  }
0x6: {  	_ = 	snop  }
0x7: {  	_ = 	snop  }
__scs_overlays_trampoline_lowered:
0x8: {  	[smem:$0x3FA7] =	sst s0  }
0x9: {  	[smem:$0x3FA8] =	sst s1  }
0xa: {  	[smem:$0x3FA9] =	sst s2  }
0xb: {  	[smem:$0x3FAA] =	sst s3  }
0xc: {  	[smem:$0x3FAB] =	sst s4  }
0xd: {  	[smem:$0x3FAC] =	sst s5  }
0xe: {  	[smem:$0x3FAD] =	sst s6  }
0xf: {  	[smem:$0x3FAE] =	sst s7  }
0x10: {  	[smem:$0x3FAF] =	sst s8  }
0x11: {  	[smem:$0x3FB0] =	sst s9;
	s0 =	simm.s32 @!p0 $0x0  }
0x12: {  	s1 =	sld [smem:$0x3F96];
	s0 =	simm.s32 @p0 $0x1  }
0x13: {  	[smem:$0x3FB1] =	sst s0;
	s0 =	simm.s32 @!p1 $0x0  }
0x14: {  	s2 =	sld [smem:$0x3F95];
	s0 =	simm.s32 @p1 $0x1  }
0x15: {  	[smem:$0x3FB2] =	sst s0;
	s0 =	simm.s32 @!p2 $0x0  }
0x16: {  	s3 =	sld [smem:$0x3FDB];
	s0 =	simm.s32 @p2 $0x1  }
0x17: {  	s4 =	simm.s32 $0x1BF5;
	[smem:$0x3FB4] =	sst s0  }
0x18: {  	s0 =	sld [smem:$0x3F97];
	_ =	swait.ge [sflag:s4], $0x0  }
0x19: {  	s7 =	sld [smem:$0x3F98]  }
0x1a: {  	s8 =	sadd.s32 $0xFFFFE003, lr  }
0x1b: {  	s9 =	sadd.s32 $0xFFFFFEF7, lr;
	s5 =	simm.s32 $0xFFFFFFFF;
	p2 =	slt.u32 s8, $0xFFFFF086  }
0x1c: {  	p1 =	slt.u32 s9, $0xF7A;
	s5 =	simm.s32 @!p2 $0x0  }
0x1d: {  	s5 =	simm.s32 @p1 $0x1;
	p0 =	seq.s32 s7, s2  }
0x1e: {  	s7 =	smul.u32 @!p0 $0xF7A, s2;
	p2 =	seq.s32 @!p0 s5, $0x0  }
0x1f: {  	s9 =	smul.u32 $0xF7A, s1;
	s8 =	simm.s32 @!p0 $0x1BF5;
	p2 =	por !p2, p0  }
0x20: {  	[sflag:s8] =	ssyncset.s32 @!p0 $0xFFFFF086;
	s6 =	sadd.s32 @!p0 s3, s7;
	s7 =	simm.s32 @!p0 $0x108  }
0x21: {  	s3 =	sadd.s32 s3, s9;
	s6 =	sadd.s32 @!p0 $0x88, s6;
	s7 =	simm.s32 @p2 $0x1082  }
0x22: {  	[simem:s7], [sflag:s8] =	dma.local @!p0 [hbm:s6], $0xF7A  }
0x23: {  	s9 =	sor.u32 $0xD0000000, s2;
	s6 =	simm.s32 $0x108;
	_ =	swait.ge @!p0 [sflag:s8], $0x0  }
0x24: {  	s3 =	sadd.s32 $0x88, s3;
	s6 =	simm.s32 @!p1 $0x1082;
	[sflag:s4] =	ssyncset.s32 $0xFFFFF086  }
0x25: {  	[simem:s6], [sflag:s4] =	dma.local [hbm:s3], $0xF7A  }
0x26: {  	[smem:$0x3F98] =	sst s1;
	(tag) =	ssettag s2;
	_ =	strace s9  }
0x27: {  	s1 =	sld [smem:$0x3FA8]  }
0x28: {  	s2 =	sld [smem:$0x3FA9]  }
0x29: {  	s4 =	sld [smem:$0x3FAB]  }
0x2a: {  	p0 =	seq.s32 s5, $0x0;
	s5 =	sld [smem:$0x3FAC]  }
0x2b: {  	s6 =	sld [smem:$0x3FAD]  }
0x2c: {  	s7 =	sld [smem:$0x3FAE]  }
0x2d: {  	s3 =	simm.s32 $0x108;
	s8 =	sld [smem:$0x3FAF]  }
0x2e: {  	s3 =	simm.s32 @!p0 $0x1082;
	s9 =	sld [smem:$0x3FB0]  }
0x2f: {  	lr =	sadd.s32 s0, s3;
	s0 =	sld [smem:$0x3FA7]  }
0x30: {  	s3 =	sld [smem:$0x3FAA]  }
0x31: {  	[smem:$0x3FB3] =	sst s10  }
0x32: {  	s10 =	sld [smem:$0x3FB1];
	_ =	sdelay $0x3  }
0x33: {  	p0 =	seq.s32 s10, $0x1;
	s10 =	sld [smem:$0x3FB3];
	_ =	sdelay $0x3  }
0x34: {  	[smem:$0x3FB3] =	sst s10  }
0x35: {  	s10 =	sld [smem:$0x3FB2];
	_ =	sdelay $0x3  }
0x36: {  	p1 =	seq.s32 s10, $0x1;
	s10 =	sld [smem:$0x3FB3];
	_ =	sdelay $0x3  }
0x37: {  	[smem:$0x3FB3] =	sst s10  }
0x38: {  	s10 =	sld [smem:$0x3FB4]  }
0x39: {  	_ = 	snop;
	(pc) =	sbr.ind lr, $3  }
0x3a: {  	_ = 	snop  }
0x3b: {  	_ = 	snop  }
0x3c: {  	p2 =	seq.s32 s10, $0x1;
	s10 =	sld [smem:$0x3FB3]  }
0x3d: {  	_ =	shalt  }
0x3e: {  	_ =	shalt  }
0x3f: {  	_ =	shalt  }
0x40: {  	_ =	shalt  }
0x41: {  	_ =	shalt  }
0x42: {  	_ =	shalt  }
0x43: {  	_ =	shalt  }
0x44: {  	_ =	shalt  }
0x45: {  	_ =	shalt  }
0x46: {  	_ =	shalt  }
0x47: {  	_ =	shalt  }
0x48: {  	_ =	shalt  }
0x49: {  	_ =	shalt  }
0x4a: {  	_ =	shalt  }
0x4b: {  	_ =	shalt  }
0x4c: {  	_ =	shalt  }
0x4d: {  	_ =	shalt  }
0x4e: {  	_ =	shalt  }
0x4f: {  	_ =	shalt  }
0x50: {  	_ =	shalt  }
0x51: {  	_ =	shalt  }
0x52: {  	_ =	shalt  }
0x53: {  	_ =	shalt  }
0x54: {  	_ =	shalt  }
0x55: {  	_ =	shalt  }
0x56: {  	_ =	shalt  }
0x57: {  	_ =	shalt  }
0x58: {  	_ =	shalt  }
0x59: {  	_ =	shalt  }
0x5a: {  	_ =	shalt  }
0x5b: {  	_ =	shalt  }
0x5c: {  	_ =	shalt  }
0x5d: {  	_ =	shalt  }
0x5e: {  	_ =	shalt  }
0x5f: {  	_ =	shalt  }
0x60: {  	_ =	shalt  }
0x61: {  	_ =	shalt  }
0x62: {  	_ =	shalt  }
0x63: {  	_ =	shalt  }
0x64: {  	_ =	shalt  }
0x65: {  	_ =	shalt  }
0x66: {  	_ =	shalt  }
0x67: {  	_ =	shalt  }
0x68: {  	_ =	shalt  }
0x69: {  	_ =	shalt  }
0x6a: {  	_ =	shalt  }
0x6b: {  	_ =	shalt  }
0x6c: {  	_ =	shalt  }
0x6d: {  	_ =	shalt  }
0x6e: {  	_ =	shalt  }
0x6f: {  	_ =	shalt  }
0x70: {  	_ =	shalt  }
0x71: {  	_ =	shalt  }
0x72: {  	_ =	shalt  }
0x73: {  	_ =	shalt  }
0x74: {  	_ =	shalt  }
0x75: {  	_ =	shalt  }
0x76: {  	_ =	shalt  }
0x77: {  	_ =	shalt  }
0x78: {  	_ =	shalt  }
0x79: {  	_ =	shalt  }
0x7a: {  	_ =	shalt  }
0x7b: {  	_ =	shalt  }
0x7c: {  	_ =	shalt  }
0x7d: {  	_ =	shalt  }
0x7e: {  	_ =	shalt  }
0x7f: {  	_ =	shalt  }
0x80: {  	_ =	shalt  }
0x81: {  	_ =	shalt  }
0x82: {  	_ =	shalt  }
0x83: {  	_ =	shalt  }
0x84: {  	_ =	shalt  }
0x85: {  	_ =	shalt  }
0x86: {  	_ =	shalt  }
0x87: {  	_ =	shalt  }
.Lfunc_end0:
.L_simem_size_0:
called_computation.3_lowered:
.L_overlay_start_0:
0x88: {  	s2 =	sld [smem:$0x3FD9]  }
0x89: {  	s3 =	sld [smem:$0x3FFE];
	_ =	sdelay $0x1  }
0x8a: {  	s1 =	srdreg.scid  }
0x8b: {  	s0 =	sand.u32 $0x1, s1  }
0x8c: {  	s17 =	sshll.u32 s0, $0xA;
	s2 =	sadd.s32 s3, s2  }
0x8d: {  	s2 =	sadd.s32 s2, s17  }
0x8e: {  	[smem:$0x3FBF] =	sst s2  }
0x8f: {  	_ = 	snop  }
0x90: {  	s2 =	sld [smem:$0x3FD0];
	(tm) =	ssettm $0x1  }
0x91: {  	s18 =	sld [smem:$0x3FFB];
	_ =	sdelay $0x3  }
0x92: {  	_ =	strace s18  }
0x93: {  	s3 =	sld [smem:$0x3FFC];
	_ =	sdelay $0x3  }
0x94: {  	_ =	strace s3  }
0x95: {  	s3 =	sld [smem:$0x3FFD];
	_ =	sdelay $0x3  }
0x96: {  	_ =	strace s3  }
0x97: {  	_ =	strace $0x8FFFFFFF  }
0x98: {  	s19 =	sld [smem:$0x3FDB];
	_ =	sdelay $0x1  }
0x99: {  	s4 =	simm.s32 $_scs_section_size  }
0x9a: {  	s5 =	simm.s32 $_size__tile_overlayer_lowered;
	s6 =	simm.s32 $_tile_overlayer_lowered  }
0x9b: {  	s22 =	simm.s32 $0x1BFF;
	s21 =	sshll.u32 s6, $0x1;
	s3 =	sadd.s32 s4, s19  }
0x9c: {  	s7 =	simm.s32 $0x0;
	s20 =	sshll.u32 s5, $0x1;
	s5 =	sadd.s32 s21, s3  }
0x9d: {  	[timem:s7], [sflag:s22] =	dma.local [hbm:s5], s20  }
0x9e: {  	_ =	swait.ge [sflag:s22], s20  }
0x9f: {  	s4 =	ssub.s32 $0x0, s20;
	[sflag:s22] =	ssyncset.done $0x0  }
0xa0: {  	[sflag:s22] =	ssyncadd.s32 s4;
	_ =	sdelay $0x1  }
0xa1: {  	s23 =	simm.s32 $0x1B8B  }
0xa2: {  	_ =	swait.ge [sflag:s23], $0x1  }
0xa3: {  	[sflag:s23] =	ssyncset.done $0x0  }
0xa4: {  	s25 =	simm.s32 $0x1B8E;
	s24 =	sld [smem:$0x3FFE];
	[sflag:s23] =	ssyncadd.s32 $0xFFFFFFFF  }
0xa5: {  	s26 =	simm.s32 $execute0_lowered;
	[smem:$0x3FD2] =	sst s25  }
0xa6: {  	s5 =	sshll.u32 s26, $0x1;
	_ =	strace $0x8000004F;
	[dreg:$0x1] =	wrdreg $0xFFFFFFFF  }
0xa7: {  	s28 =	simm.s32 $_size_execute0_lowered;
	s3 =	sadd.s32 s3, s5;
	[dreg:$0x0] =	wrdreg $0x0  }
0xa8: {  	s5 =	sshll.u32 s28, $0x1;
	[dreg:$0x2] =	wrdreg s3  }
0xa9: {  	[dreg:$0x3] =	wrdreg s5  }
0xaa: {  	[dreg:$0x4] =	wrdreg $0xC0  }
0xab: {  	_ =	task [dreg:s7], $0x5FFFF  }
0xac: {  	[dreg:$0x1] =	wrdreg $0xFFFFFFFF  }
0xad: {  	[dreg:$0x0] =	wrdreg $0x60  }
0xae: {  	[dreg:$0x2] =	wrdreg s24  }
0xaf: {  	[dreg:$0x3] =	wrdreg s2  }
0xb0: {  	[dreg:$0x4] =	wrdreg $0x9  }
0xb1: {  	_ =	task.clear_ibuf [dreg:s7], $0x5FFFF;
	_ =	strace $0x9000004F  }
0xb2: {  	s29 =	simm.s32 $0x9;
	_ =	strace $0x80000051  }
0xb3: {  	_ =	swait.ge [sflag:s29], $0x1  }
0xb4: {  	[sflag:s29] =	ssyncadd.s32 $0xFFFFFFFF  }
0xb5: {  	_ =	strace $0x90000051  }
0xb6: {  	_ =	sfence  }
0xb7: {  	s30 =	sld [smem:$0x0];
	_ =	sdelay $0x2  }
0xb8: {  	s31 =	sshll.u32 s1, $0xD;
	s1 =	sshrl.u32 s1, $0x2  }
0xb9: {  	s3 =	sand.u32 $0x4000, s31;
	s1 =	sadd.s32 s1, s30  }
0xba: {  	s0 =	sor.u32 s3, s0;
	s1 =	sshll.u32 s1, $0x11  }
0xbb: {  	s0 =	sor.u32 s1, s0  }
0xbc: {  	s0 =	sadd.s32 $0x8F2B, s0  }
0xbd: {  	[sflag:s0] =	ssyncadd.remote.s32 $0x1  }
0xbe: {  	_ =	sfence.sel $0xFFFF  }
0xbf: {  	[dreg:$0x0] =	wrdreg $0xFFFFFFFF;
	(pc) =	sbr.abs _section_cstart, $3  }
0xc0: {  	[dreg:$0x1] =	wrdreg $0xFFFFFFFF  }
0xc1: {  	_ =	task.clear_ibuf [dreg:s7], $0x2FFFF;
	_ =	strace $0x9FFFFFFF  }
0xc2: {  	(tm) =	ssettm $0x7FFFFFFF  }
0xc3: {  	_ =	shalt  }
tec
execute0_lowered:
.L_overlay_start_1:
0x0: {  	(tag) =	ssettag $0x1  }
0x1: {  	s5 =	rddreg [dreg:$0x0]  }
0x2: {  	s7 =	rddreg [dreg:$0x1]  }
0x3: {  	s0 =	rddreg [dreg:$0x2]  }
0x4: {  	s3 =	srdreg.scid;
	s1 =	stileid.u32  }
0x5: {  	s2 =	simm.s32 $0x0;
	s12 =	simm.s32 $0x100;
	s13 =	simm.s32 $0x1  }
0x6: {  	s14 =	simm.s32 $0x50;
	s15 =	simm.s32 $0x180;
	s16 =	simm.s32 $0x2980  }
0x7: {  	s17 =	simm.s32 $0x5180;
	s18 =	simm.s32 $0x400;
	s8 =	smul.u32 $0x2710, s1  }
0x8: {  	s19 =	simm.s32 $0xC00;
	s6 =	sand.u32 $0x1, s3;
	s11 =	smul.u32 $0x3A9800, s1  }
0x9: {  	s20 =	simm.s32 $0x0;
	[smem:$0x7FF] =	sst s2;
	s9 =	smul.u32 $0x27100, s6  }
0xa: {  	s3 =	sadd.s32 $0x3600, s5;
	s10 =	smul.u32 $0x3A98000, s6;
	s6 =	ssub.s32 $0x2, s6  }
0xb: {  	s4 =	sadd.s32 $0xB4600, s5;
	_ =	strace $0x80000050;
	s25 =	sshrl.u32 s6, $0x1  }
0xc: {  	s8 =	sadd.s32 s8, s9;
	s10 =	sadd.s32 s11, s10;
	s28 =	ssub.s32 s6, s25  }
0xd: {  	s11 =	simm.s32 $0x80;
	s8 =	sshrl.u32 s8, $0x3;
	s29 =	sadd.s32 $0x800, s10  }
0xe: {  	s30 =	sshrl.u32 s10, $0x3;
	s26 =	sadd.s32 s8, s5;
	s31 =	sshrl.u32 s29, $0x3  }
0xf: {  	s5 =	smax.u32 s28, $0x1;
	s6 =	sadd.s32 s30, s7;
	s7 =	sadd.s32 s31, s7  }
0x10: {  	s8 =	sadd.s32 $0xA8000, s26;
	s9 =	sadd.s32 $0x98A00, s26;
	s10 =	sadd.s32 $0x8EC00, s26  }
.LBB2_1:
0x11: {  	[tilespmem:s2], [sflag:$0x1] =	stream.linear.gather [hbm4b:s10+s2], $0x50, $0x38;
	[tilespmem:$0x7980] =	vst v63  }
0x12: {  	_ = 	snop  }
0x13: {  	[tilespmem:s11], [sflag:$0x1] =	stream.linear.gather [hbm4b:s9+s2], $0x50, $0x38;
	[tilespmem:$0x7980] =	vst v63  }
0x14: {  	_ = 	snop  }
0x15: {  	[tilespmem:s12], [sflag:$0x1] =	stream.linear.gather [hbm4b:s8+s2], $0x50, $0x38;
	[tilespmem:$0x7980] =	vst v63  }
0x16: {  	_ =	swait.ge [sflag:s13], $0x50  }
0x17: {  	[sflag:s13] =	ssyncset.done $0x0  }
0x18: {  	[sflag:s13] =	ssyncadd.s32 $0xFFFFFFB0  }
0x19: {  	_ =	swait.ge [sflag:s13], $0x50  }
0x1a: {  	[sflag:s13] =	ssyncset.done $0x0  }
0x1b: {  	[sflag:s13] =	ssyncadd.s32 $0xFFFFFFB0  }
0x1c: {  	_ =	swait.ge [sflag:s13], $0x50  }
0x1d: {  	[sflag:s13] =	ssyncset.done $0x0  }
0x1e: {  	[sflag:s13] =	ssyncadd.s32 $0xFFFFFFB0  }
0x1f: {  	[tilespmem:s15], [sflag:$0x1] =	stream.indirect.gather [hbm4b:s3+s14], $0x80, s2, s14, $0xb8;
	[tilespmem:$0x7980] =	vst v63  }
0x20: {  	_ = 	snop  }
0x21: {  	[tilespmem:s16], [sflag:$0x1] =	stream.indirect.gather [hbm4b:s4+s14], $0x80, s12, s14, $0xb8;
	[tilespmem:$0x7980] =	vst v63  }
0x22: {  	_ = 	snop  }
0x23: {  	[tilespmem:s17], [sflag:$0x1] =	stream.indirect.gather [hbm4b:s3+s14], $0x80, s11, s14, $0xb8;
	[tilespmem:$0x7980] =	vst v63  }
0x24: {  	_ =	swait.ge [sflag:s13], $0x2800  }
0x25: {  	[sflag:s13] =	ssyncset.done $0x0  }
0x26: {  	[sflag:s13] =	ssyncadd.s32 $0xFFFFD800  }
0x27: {  	_ =	swait.ge [sflag:s13], $0x2800  }
0x28: {  	[sflag:s13] =	ssyncset.done $0x0  }
0x29: {  	[sflag:s13] =	ssyncadd.s32 $0xFFFFD800  }
0x2a: {  	_ =	swait.ge [sflag:s13], $0x2800  }
0x2b: {  	[sflag:s13] =	ssyncset.done $0x0  }
0x2c: {  	s21 =	sadd.s32 $0x0, s6;
	[sflag:s13] =	ssyncadd.s32 $0xFFFFD800  }
0x2d: {  	[hbm4b:s21+s18] =	stream.strided.scatter [tilespmem:s15], [sflag:$0x1], $0x2800, s19, s18, $0x38;
	[tilespmem:$0x7980] =	vst v63  }
0x2e: {  	s21 =	sadd.s32 $0x80, s21  }
0x2f: {  	[hbm4b:s21+s18] =	stream.strided.scatter [tilespmem:s16], [sflag:$0x1], $0x2800, s19, s18, $0x38;
	[tilespmem:$0x7980] =	vst v63  }
0x30: {  	s31 =	sadd.s32 $0x0, s7  }
0x31: {  	[hbm4b:s31+s18] =	stream.strided.scatter [tilespmem:s17], [sflag:$0x1], $0x2800, s19, s18, $0x38;
	[tilespmem:$0x7980] =	vst v63  }
0x32: {  	_ =	swait.ge [sflag:s13], $0x2800  }
0x33: {  	[sflag:s13] =	ssyncset.done $0x0  }
0x34: {  	[sflag:s13] =	ssyncadd.s32 $0xFFFFD800  }
0x35: {  	_ =	swait.ge [sflag:s13], $0x2800  }
0x36: {  	[sflag:s13] =	ssyncset.done $0x0  }
0x37: {  	[sflag:s13] =	ssyncadd.s32 $0xFFFFD800  }
0x38: {  	s22 =	sadd.s32 $0xA, s10;
	s23 =	smov.u32 s8;
	_ =	swait.ge [sflag:s13], $0x2800  }
0x39: {  	s24 =	smov.u32 s9;
	s21 =	simm.s32 $0xF00;
	[sflag:s13] =	ssyncset.done $0x0  }
.LBB2_2:
0x3a: {  	[sflag:s13] =	ssyncadd.s32 $0xFFFFD800;
	s23 =	sadd.s32 $0xA, s23;
	s24 =	sadd.s32 $0xA, s24  }
0x3b: {  	[tilespmem:s2], [sflag:$0x1] =	stream.linear.gather [hbm4b:s22+s2], $0x50, $0x38;
	[tilespmem:$0x7980] =	vst v63  }
0x3c: {  	p0 =	sne.s32 s21, $0x74400;
	s25 =	smov.u32 s21;
	s21 =	sadd.s32 $0xF00, s21  }
0x3d: {  	[tilespmem:s11], [sflag:$0x1] =	stream.linear.gather [hbm4b:s24+s2], $0x50, $0x38;
	[tilespmem:$0x7980] =	vst v63  }
0x3e: {  	_ = 	snop  }
0x3f: {  	[tilespmem:s12], [sflag:$0x1] =	stream.linear.gather [hbm4b:s23+s2], $0x50, $0x38;
	[tilespmem:$0x7980] =	vst v63  }
0x40: {  	_ =	swait.ge [sflag:s13], $0x50  }
0x41: {  	[sflag:s13] =	ssyncset.done $0x0  }
0x42: {  	[sflag:s13] =	ssyncadd.s32 $0xFFFFFFB0  }
0x43: {  	_ =	swait.ge [sflag:s13], $0x50  }
0x44: {  	[sflag:s13] =	ssyncset.done $0x0  }
0x45: {  	[sflag:s13] =	ssyncadd.s32 $0xFFFFFFB0  }
0x46: {  	_ =	swait.ge [sflag:s13], $0x50  }
0x47: {  	[sflag:s13] =	ssyncset.done $0x0  }
0x48: {  	[sflag:s13] =	ssyncadd.s32 $0xFFFFFFB0  }
0x49: {  	[tilespmem:s15], [sflag:$0x1] =	stream.indirect.gather [hbm4b:s3+s14], $0x80, s2, s14, $0xb8;
	[tilespmem:$0x7980] =	vst v63  }
0x4a: {  	_ = 	snop  }
0x4b: {  	[tilespmem:s16], [sflag:$0x1] =	stream.indirect.gather [hbm4b:s4+s14], $0x80, s12, s14, $0xb8;
	[tilespmem:$0x7980] =	vst v63  }
0x4c: {  	_ = 	snop  }
0x4d: {  	[tilespmem:s17], [sflag:$0x1] =	stream.indirect.gather [hbm4b:s3+s14], $0x80, s11, s14, $0xb8;
	[tilespmem:$0x7980] =	vst v63  }
0x4e: {  	_ =	swait.ge [sflag:s13], $0x2800  }
0x4f: {  	[sflag:s13] =	ssyncset.done $0x0  }
0x50: {  	[sflag:s13] =	ssyncadd.s32 $0xFFFFD800  }
0x51: {  	_ =	swait.ge [sflag:s13], $0x2800  }
0x52: {  	[sflag:s13] =	ssyncset.done $0x0  }
0x53: {  	[sflag:s13] =	ssyncadd.s32 $0xFFFFD800  }
0x54: {  	_ =	swait.ge [sflag:s13], $0x2800  }
0x55: {  	[sflag:s13] =	ssyncset.done $0x0  }
0x56: {  	s26 =	sadd.s32 s25, s6;
	[sflag:s13] =	ssyncadd.s32 $0xFFFFD800  }
0x57: {  	[hbm4b:s26+s18] =	stream.strided.scatter [tilespmem:s15], [sflag:$0x1], $0x2800, s19, s18, $0x38;
	[tilespmem:$0x7980] =	vst v63  }
0x58: {  	s26 =	sadd.s32 $0x80, s26  }
0x59: {  	[hbm4b:s26+s18] =	stream.strided.scatter [tilespmem:s16], [sflag:$0x1], $0x2800, s19, s18, $0x38;
	[tilespmem:$0x7980] =	vst v63  }
0x5a: {  	s25 =	sadd.s32 s25, s7  }
0x5b: {  	[hbm4b:s25+s18] =	stream.strided.scatter [tilespmem:s17], [sflag:$0x1], $0x2800, s19, s18, $0x38;
	[tilespmem:$0x7980] =	vst v63  }
0x5c: {  	_ =	swait.ge [sflag:s13], $0x2800  }
0x5d: {  	[sflag:s13] =	ssyncset.done $0x0  }
0x5e: {  	[sflag:s13] =	ssyncadd.s32 $0xFFFFD800  }
.Ltmp0:
0x5f: {  	_ =	swait.ge [sflag:s13], $0x2800;
	(pc) =	sbr.rel @p0 .LBB2_2-.Ltmp0, $4  }
0x60: {  	[sflag:s13] =	ssyncset.done $0x0  }
0x61: {  	[sflag:s13] =	ssyncadd.s32 $0xFFFFD800  }
0x62: {  	_ =	swait.ge [sflag:s13], $0x2800  }
0x63: {  	s22 =	sadd.s32 $0xA, s22;
	[sflag:s13] =	ssyncset.done $0x0  }
0x64: {  	s20 =	sadd.s32 $0x1, s20  }
0x65: {  	p0 =	sne.s32 s20, s5  }
.Ltmp1:
0x66: {  	_ = 	snop;
	(pc) =	sbr.rel @p0 .LBB2_1-.Ltmp1, $2  }
0x67: {  	_ =	sdelay $0x2  }
0x68: {  	[sflag:s13] =	ssyncadd.s32 $0xFFFFD800  }
0x69: {  	_ =	sfence.sel $0x180000  }
0x6a: {  	[bflag:$0x0] =	sbarrier.arrive $0xFFFF  }
0x6b: {  	p0 =	sne.s32 s1, $0x0;
	_ =	strace $0x90000050  }
0x6c: {  	s0 =	sadd.s32 @!p0 $0x100000, s0;
	[bflag:$0x2] =	sbarrier.arrive $0xFFFF  }
0x6d: {  	[sflag:s0] =	ssyncadd.tile.s32 @!p0 $0x1;
	_ =	shalt  }
.Lfunc_end2:
_tile_overlayer_lowered:
.L_overlay_start_2:
0x6e: {  	(tag) =	ssettag $0x2  }
0x6f: {  	s0 =	rddreg [dreg:$0x0];
	s2 =	stileid.u32  }
0x70: {  	s1 =	rddreg [dreg:$0x1];
	p0 =	sne.s32 s2, $0x0  }
0x71: {  	s3 =	rddreg [dreg:$0x2];
	[bflag:$0x3] =	sbarrier.arrive $0xFFFF;
	s2 =	simm.s32 @!p0 $0x1C02  }
0x72: {  	[timem:s3], [sflag:s2] =	dma.local @!p0 [hbm:s0], s1  }
0x73: {  	s0 =	simm.s32 @!p0 $0x2  }
0x74: {  	_ =	swait.ge @!p0 [sflag:s0], s1  }
0x75: {  	s1 =	ssub.s32 @!p0 $0x0, s1;
	[sflag:s0] =	ssyncset.done @!p0 $0x0  }
0x76: {  	[sflag:s0] =	ssyncadd.s32 @!p0 s1  }
0x77: {  	[bflag:$0x3] =	sbarrier.arrive $0xFFFF  }
0x78: {  	_ =	shalt  }

// kernel: kernel.8.cloned.1.call-start
scs
__scs_entry_jumppad:
0x0: {  	(pc) =	sbr.rel $0x88, $3  }
0x1: {  	(tag) =	ssettag $0x0;
	lr =	simm.s32 $0x1  }
0x2: {  	[smem:$0x3F98] =	sst lr;
	_ =	strace $0xD0000000  }
0x3: {  	_ = 	snop  }
0x4: {  	_ = 	snop  }
0x5: {  	_ = 	snop  }
0x6: {  	_ = 	snop  }
0x7: {  	_ = 	snop  }
__scs_overlays_trampoline_lowered:
0x8: {  	[smem:$0x3FA7] =	sst s0  }
0x9: {  	[smem:$0x3FA8] =	sst s1  }
0xa: {  	[smem:$0x3FA9] =	sst s2  }
0xb: {  	[smem:$0x3FAA] =	sst s3  }
0xc: {  	[smem:$0x3FAB] =	sst s4  }
0xd: {  	[smem:$0x3FAC] =	sst s5  }
0xe: {  	[smem:$0x3FAD] =	sst s6  }
0xf: {  	[smem:$0x3FAE] =	sst s7  }
0x10: {  	[smem:$0x3FAF] =	sst s8  }
0x11: {  	[smem:$0x3FB0] =	sst s9;
	s0 =	simm.s32 @!p0 $0x0  }
0x12: {  	s1 =	sld [smem:$0x3F96];
	s0 =	simm.s32 @p0 $0x1  }
0x13: {  	[smem:$0x3FB1] =	sst s0;
	s0 =	simm.s32 @!p1 $0x0  }
0x14: {  	s2 =	sld [smem:$0x3F95];
	s0 =	simm.s32 @p1 $0x1  }
0x15: {  	[smem:$0x3FB2] =	sst s0;
	s0 =	simm.s32 @!p2 $0x0  }
0x16: {  	s3 =	sld [smem:$0x3FDB];
	s0 =	simm.s32 @p2 $0x1  }
0x17: {  	s4 =	simm.s32 $0x1BF5;
	[smem:$0x3FB4] =	sst s0  }
0x18: {  	s0 =	sld [smem:$0x3F97];
	_ =	swait.ge [sflag:s4], $0x0  }
0x19: {  	s7 =	sld [smem:$0x3F98]  }
0x1a: {  	s8 =	sadd.s32 $0xFFFFE003, lr  }
0x1b: {  	s9 =	sadd.s32 $0xFFFFFEF7, lr;
	s5 =	simm.s32 $0xFFFFFFFF;
	p2 =	slt.u32 s8, $0xFFFFF086  }
0x1c: {  	p1 =	slt.u32 s9, $0xF7A;
	s5 =	simm.s32 @!p2 $0x0  }
0x1d: {  	s5 =	simm.s32 @p1 $0x1;
	p0 =	seq.s32 s7, s2  }
0x1e: {  	s7 =	smul.u32 @!p0 $0xF7A, s2;
	p2 =	seq.s32 @!p0 s5, $0x0  }
0x1f: {  	s9 =	smul.u32 $0xF7A, s1;
	s8 =	simm.s32 @!p0 $0x1BF5;
	p2 =	por !p2, p0  }
0x20: {  	[sflag:s8] =	ssyncset.s32 @!p0 $0xFFFFF086;
	s6 =	sadd.s32 @!p0 s3, s7;
	s7 =	simm.s32 @!p0 $0x108  }
0x21: {  	s3 =	sadd.s32 s3, s9;
	s6 =	sadd.s32 @!p0 $0x88, s6;
	s7 =	simm.s32 @p2 $0x1082  }
0x22: {  	[simem:s7], [sflag:s8] =	dma.local @!p0 [hbm:s6], $0xF7A  }
0x23: {  	s9 =	sor.u32 $0xD0000000, s2;
	s6 =	simm.s32 $0x108;
	_ =	swait.ge @!p0 [sflag:s8], $0x0  }
0x24: {  	s3 =	sadd.s32 $0x88, s3;
	s6 =	simm.s32 @!p1 $0x1082;
	[sflag:s4] =	ssyncset.s32 $0xFFFFF086  }
0x25: {  	[simem:s6], [sflag:s4] =	dma.local [hbm:s3], $0xF7A  }
0x26: {  	[smem:$0x3F98] =	sst s1;
	(tag) =	ssettag s2;
	_ =	strace s9  }
0x27: {  	s1 =	sld [smem:$0x3FA8]  }
0x28: {  	s2 =	sld [smem:$0x3FA9]  }
0x29: {  	s4 =	sld [smem:$0x3FAB]  }
0x2a: {  	p0 =	seq.s32 s5, $0x0;
	s5 =	sld [smem:$0x3FAC]  }
0x2b: {  	s6 =	sld [smem:$0x3FAD]  }
0x2c: {  	s7 =	sld [smem:$0x3FAE]  }
0x2d: {  	s3 =	simm.s32 $0x108;
	s8 =	sld [smem:$0x3FAF]  }
0x2e: {  	s3 =	simm.s32 @!p0 $0x1082;
	s9 =	sld [smem:$0x3FB0]  }
0x2f: {  	lr =	sadd.s32 s0, s3;
	s0 =	sld [smem:$0x3FA7]  }
0x30: {  	s3 =	sld [smem:$0x3FAA]  }
0x31: {  	[smem:$0x3FB3] =	sst s10  }
0x32: {  	s10 =	sld [smem:$0x3FB1];
	_ =	sdelay $0x3  }
0x33: {  	p0 =	seq.s32 s10, $0x1;
	s10 =	sld [smem:$0x3FB3];
	_ =	sdelay $0x3  }
0x34: {  	[smem:$0x3FB3] =	sst s10  }
0x35: {  	s10 =	sld [smem:$0x3FB2];
	_ =	sdelay $0x3  }
0x36: {  	p1 =	seq.s32 s10, $0x1;
	s10 =	sld [smem:$0x3FB3];
	_ =	sdelay $0x3  }
0x37: {  	[smem:$0x3FB3] =	sst s10  }
0x38: {  	s10 =	sld [smem:$0x3FB4]  }
0x39: {  	_ = 	snop;
	(pc) =	sbr.ind lr, $3  }
0x3a: {  	_ = 	snop  }
0x3b: {  	_ = 	snop  }
0x3c: {  	p2 =	seq.s32 s10, $0x1;
	s10 =	sld [smem:$0x3FB3]  }
0x3d: {  	_ =	shalt  }
0x3e: {  	_ =	shalt  }
0x3f: {  	_ =	shalt  }
0x40: {  	_ =	shalt  }
0x41: {  	_ =	shalt  }
0x42: {  	_ =	shalt  }
0x43: {  	_ =	shalt  }
0x44: {  	_ =	shalt  }
0x45: {  	_ =	shalt  }
0x46: {  	_ =	shalt  }
0x47: {  	_ =	shalt  }
0x48: {  	_ =	shalt  }
0x49: {  	_ =	shalt  }
0x4a: {  	_ =	shalt  }
0x4b: {  	_ =	shalt  }
0x4c: {  	_ =	shalt  }
0x4d: {  	_ =	shalt  }
0x4e: {  	_ =	shalt  }
0x4f: {  	_ =	shalt  }
0x50: {  	_ =	shalt  }
0x51: {  	_ =	shalt  }
0x52: {  	_ =	shalt  }
0x53: {  	_ =	shalt  }
0x54: {  	_ =	shalt  }
0x55: {  	_ =	shalt  }
0x56: {  	_ =	shalt  }
0x57: {  	_ =	shalt  }
0x58: {  	_ =	shalt  }
0x59: {  	_ =	shalt  }
0x5a: {  	_ =	shalt  }
0x5b: {  	_ =	shalt  }
0x5c: {  	_ =	shalt  }
0x5d: {  	_ =	shalt  }
0x5e: {  	_ =	shalt  }
0x5f: {  	_ =	shalt  }
0x60: {  	_ =	shalt  }
0x61: {  	_ =	shalt  }
0x62: {  	_ =	shalt  }
0x63: {  	_ =	shalt  }
0x64: {  	_ =	shalt  }
0x65: {  	_ =	shalt  }
0x66: {  	_ =	shalt  }
0x67: {  	_ =	shalt  }
0x68: {  	_ =	shalt  }
0x69: {  	_ =	shalt  }
0x6a: {  	_ =	shalt  }
0x6b: {  	_ =	shalt  }
0x6c: {  	_ =	shalt  }
0x6d: {  	_ =	shalt  }
0x6e: {  	_ =	shalt  }
0x6f: {  	_ =	shalt  }
0x70: {  	_ =	shalt  }
0x71: {  	_ =	shalt  }
0x72: {  	_ =	shalt  }
0x73: {  	_ =	shalt  }
0x74: {  	_ =	shalt  }
0x75: {  	_ =	shalt  }
0x76: {  	_ =	shalt  }
0x77: {  	_ =	shalt  }
0x78: {  	_ =	shalt  }
0x79: {  	_ =	shalt  }
0x7a: {  	_ =	shalt  }
0x7b: {  	_ =	shalt  }
0x7c: {  	_ =	shalt  }
0x7d: {  	_ =	shalt  }
0x7e: {  	_ =	shalt  }
0x7f: {  	_ =	shalt  }
0x80: {  	_ =	shalt  }
0x81: {  	_ =	shalt  }
0x82: {  	_ =	shalt  }
0x83: {  	_ =	shalt  }
0x84: {  	_ =	shalt  }
0x85: {  	_ =	shalt  }
0x86: {  	_ =	shalt  }
0x87: {  	_ =	shalt  }
.Lfunc_end0:
.L_simem_size_0:
called_computation_lowered:
.L_overlay_start_0:
0x88: {  	s2 =	sld [smem:$0x3FD9]  }
0x89: {  	s3 =	sld [smem:$0x3FFE];
	_ =	sdelay $0x1  }
0x8a: {  	s1 =	srdreg.scid  }
0x8b: {  	s0 =	sand.u32 $0x1, s1  }
0x8c: {  	s17 =	sshll.u32 s0, $0xA;
	s2 =	sadd.s32 s3, s2  }
0x8d: {  	s2 =	sadd.s32 s2, s17  }
0x8e: {  	[smem:$0x3FBF] =	sst s2  }
0x8f: {  	_ = 	snop  }
0x90: {  	s2 =	sld [smem:$0x3FC5]  }
0x91: {  	s18 =	sld [smem:$0x3FD0];
	(tm) =	ssettm $0x1  }
0x92: {  	s4 =	sld [smem:$0x3FFB];
	_ =	sdelay $0x3  }
0x93: {  	_ =	strace s4  }
0x94: {  	s4 =	sld [smem:$0x3FFC];
	_ =	sdelay $0x3  }
0x95: {  	_ =	strace s4  }
0x96: {  	s4 =	sld [smem:$0x3FFD];
	_ =	sdelay $0x3  }
0x97: {  	_ =	strace s4  }
0x98: {  	_ =	strace $0x8FFFFFFF  }
0x99: {  	s19 =	sld [smem:$0x3FDB];
	_ =	sdelay $0x1  }
0x9a: {  	s5 =	simm.s32 $_scs_section_size  }
0x9b: {  	s6 =	simm.s32 $_size__tile_overlayer_lowered;
	s7 =	simm.s32 $_tile_overlayer_lowered  }
0x9c: {  	s22 =	simm.s32 $0x1BFF;
	s21 =	sshll.u32 s7, $0x1;
	s4 =	sadd.s32 s5, s19  }
0x9d: {  	s8 =	simm.s32 $0x0;
	s20 =	sshll.u32 s6, $0x1;
	s6 =	sadd.s32 s21, s4  }
0x9e: {  	[timem:s8], [sflag:s22] =	dma.local [hbm:s6], s20  }
0x9f: {  	_ =	swait.ge [sflag:s22], s20  }
0xa0: {  	s5 =	ssub.s32 $0x0, s20;
	[sflag:s22] =	ssyncset.done $0x0  }
0xa1: {  	[sflag:s22] =	ssyncadd.s32 s5;
	_ =	sdelay $0x1  }
0xa2: {  	s23 =	simm.s32 $0x1B8B  }
0xa3: {  	_ =	swait.ge [sflag:s23], $0x1  }
0xa4: {  	[sflag:s23] =	ssyncset.done $0x0  }
0xa5: {  	s25 =	simm.s32 $0x1B8E;
	s24 =	sld [smem:$0x3FFE];
	[sflag:s23] =	ssyncadd.s32 $0xFFFFFFFF  }
0xa6: {  	s26 =	simm.s32 $execute0_lowered;
	[smem:$0x3FD2] =	sst s25  }
0xa7: {  	s6 =	sshll.u32 s26, $0x1;
	_ =	strace $0x80000046;
	[dreg:$0x1] =	wrdreg $0xFFFFFFFF  }
0xa8: {  	s28 =	simm.s32 $_size_execute0_lowered;
	s4 =	sadd.s32 s4, s6;
	[dreg:$0x0] =	wrdreg $0x0  }
0xa9: {  	s6 =	sshll.u32 s28, $0x1;
	[dreg:$0x2] =	wrdreg s4  }
0xaa: {  	[dreg:$0x3] =	wrdreg s6  }
0xab: {  	[dreg:$0x4] =	wrdreg $0xC0  }
0xac: {  	_ =	task [dreg:s8], $0x5FFFF  }
0xad: {  	[dreg:$0x1] =	wrdreg $0xFFFFFFFF  }
0xae: {  	[dreg:$0x0] =	wrdreg $0x60  }
0xaf: {  	[dreg:$0x2] =	wrdreg s2  }
0xb0: {  	[dreg:$0x3] =	wrdreg s18  }
0xb1: {  	[dreg:$0x4] =	wrdreg s24  }
0xb2: {  	[dreg:$0x5] =	wrdreg $0xA  }
0xb3: {  	_ =	task.clear_ibuf [dreg:s8], $0x6FFFF;
	_ =	strace $0x90000046  }
0xb4: {  	s29 =	simm.s32 $0xA;
	_ =	strace $0x80000048  }
0xb5: {  	_ =	swait.ge [sflag:s29], $0x1  }
0xb6: {  	[sflag:s29] =	ssyncadd.s32 $0xFFFFFFFF  }
0xb7: {  	_ =	strace $0x90000048  }
0xb8: {  	_ =	sfence  }
0xb9: {  	s30 =	sld [smem:$0x0];
	_ =	sdelay $0x2  }
0xba: {  	s31 =	sshll.u32 s1, $0xD;
	s1 =	sshrl.u32 s1, $0x2  }
0xbb: {  	s3 =	sand.u32 $0x4000, s31;
	s1 =	sadd.s32 s1, s30  }
0xbc: {  	s0 =	sor.u32 s3, s0;
	s1 =	sshll.u32 s1, $0x11  }
0xbd: {  	s0 =	sor.u32 s1, s0  }
0xbe: {  	s0 =	sadd.s32 $0x8F2B, s0  }
0xbf: {  	[sflag:s0] =	ssyncadd.remote.s32 $0x1  }
0xc0: {  	_ =	sfence.sel $0xFFFF  }
0xc1: {  	[dreg:$0x0] =	wrdreg $0xFFFFFFFF;
	(pc) =	sbr.abs _section_cstart, $3  }
0xc2: {  	[dreg:$0x1] =	wrdreg $0xFFFFFFFF  }
0xc3: {  	_ =	task.clear_ibuf [dreg:s8], $0x2FFFF;
	_ =	strace $0x9FFFFFFF  }
0xc4: {  	(tm) =	ssettm $0x7FFFFFFF  }
0xc5: {  	_ =	shalt  }
tec
execute0_lowered:
.L_overlay_start_1:
0x0: {  	(tag) =	ssettag $0x1  }
0x1: {  	s1 =	srdreg.scid;
	s0 =	stileid.u32  }
0x2: {  	s2 =	rddreg [dreg:$0x0];
	s16 =	sand.u32 $0x1, s1;
	s26 =	sshll.u32 s0, $0x1  }
0x3: {  	s15 =	rddreg [dreg:$0x1];
	s8 =	sor.u32 s16, s26  }
0x4: {  	s9 =	rddreg [dreg:$0x2];
	s18 =	smul.u32 $0x280, s8  }
0x5: {  	s3 =	simm.s32 $0x0;
	s1 =	rddreg [dreg:$0x3]  }
0x6: {  	[smem:$0x7FF] =	sst s3;
	s4 =	sshrl.u32 s18, $0x3  }
0x7: {  	_ =	strace $0x80000047;
	s5 =	sadd.s32 s15, s4;
	s4 =	simm.s32 $0x2  }
0x8: {  	[tilespmem:s3], [sflag:$0x2] =	stream.linear.gather [hbm4b:s5+s3], $0x80, $0x38;
	[tilespmem:$0x4080] =	vst v63  }
0x9: {  	_ =	swait.ge [sflag:s4], $0x80  }
0xa: {  	[sflag:s4] =	ssyncset.done $0x0  }
0xb: {  	s6 =	simm.s32 $0x80;
	s7 =	simm.s32 $0x1;
	[sflag:s4] =	ssyncadd.s32 $0xFFFFFF80  }
0xc: {  	[tilespmem:s6], [sflag:$0x1] =	stream.indirect.gather [hbm4b:s2+s6], $0x80, s3, s6, $0xb8;
	[tilespmem:$0x4080] =	vst v63  }
0xd: {  	s8 =	smul.u32 $0x2800, s8;
	_ =	swait.ge [sflag:s7], $0x4000  }
0xe: {  	s17 =	sadd.s32 $0x3600, s9;
	[sflag:s7] =	ssyncset.done $0x0  }
0xf: {  	s8 =	sadd.s32 s17, s8;
	[sflag:s7] =	ssyncadd.s32 $0xFFFFC000  }
0x10: {  	[hbm4b:s8+s3] =	stream.linear.scatter [tilespmem:s6], [sflag:$0x2], $0x4000, $0x38;
	[tilespmem:$0x4080] =	vst v63  }
0x11: {  	s10 =	sadd.s32 $0x80, s18;
	_ =	swait.ge [sflag:s4], $0x4000  }
0x12: {  	s28 =	sshrl.u32 s10, $0x3;
	[sflag:s4] =	ssyncset.done $0x0  }
0x13: {  	s9 =	sadd.s32 s15, s28;
	[sflag:s4] =	ssyncadd.s32 $0xFFFFC000  }
0x14: {  	[tilespmem:s3], [sflag:$0x2] =	stream.linear.gather [hbm4b:s9+s3], $0x80, $0x38;
	[tilespmem:$0x4080] =	vst v63  }
0x15: {  	_ =	swait.ge [sflag:s4], $0x80  }
0x16: {  	[sflag:s4] =	ssyncset.done $0x0  }
0x17: {  	[sflag:s4] =	ssyncadd.s32 $0xFFFFFF80  }
0x18: {  	[tilespmem:s6], [sflag:$0x1] =	stream.indirect.gather [hbm4b:s2+s6], $0x80, s3, s6, $0xb8;
	[tilespmem:$0x4080] =	vst v63  }
0x19: {  	_ =	swait.ge [sflag:s7], $0x4000  }
0x1a: {  	s10 =	sshll.u32 s10, $0x4;
	[sflag:s7] =	ssyncset.done $0x0  }
0x1b: {  	s10 =	sadd.s32 s17, s10;
	[sflag:s7] =	ssyncadd.s32 $0xFFFFC000  }
0x1c: {  	[hbm4b:s10+s3] =	stream.linear.scatter [tilespmem:s6], [sflag:$0x2], $0x4000, $0x38;
	[tilespmem:$0x4080] =	vst v63  }
0x1d: {  	s12 =	sadd.s32 $0x100, s18;
	_ =	swait.ge [sflag:s4], $0x4000  }
0x1e: {  	s11 =	sshrl.u32 s12, $0x3;
	[sflag:s4] =	ssyncset.done $0x0  }
0x1f: {  	s11 =	sadd.s32 s15, s11;
	[sflag:s4] =	ssyncadd.s32 $0xFFFFC000  }
0x20: {  	[tilespmem:s3], [sflag:$0x2] =	stream.linear.gather [hbm4b:s11+s3], $0x80, $0x38;
	[tilespmem:$0x4080] =	vst v63  }
0x21: {  	_ =	swait.ge [sflag:s4], $0x80  }
0x22: {  	[sflag:s4] =	ssyncset.done $0x0  }
0x23: {  	[sflag:s4] =	ssyncadd.s32 $0xFFFFFF80  }
0x24: {  	[tilespmem:s6], [sflag:$0x1] =	stream.indirect.gather [hbm4b:s2+s6], $0x80, s3, s6, $0xb8;
	[tilespmem:$0x4080] =	vst v63  }
0x25: {  	_ =	swait.ge [sflag:s7], $0x4000  }
0x26: {  	s12 =	sshll.u32 s12, $0x4;
	[sflag:s7] =	ssyncset.done $0x0  }
0x27: {  	s12 =	sadd.s32 s17, s12;
	[sflag:s7] =	ssyncadd.s32 $0xFFFFC000  }
0x28: {  	[hbm4b:s12+s3] =	stream.linear.scatter [tilespmem:s6], [sflag:$0x2], $0x4000, $0x38;
	[tilespmem:$0x4080] =	vst v63  }
0x29: {  	s14 =	sadd.s32 $0x180, s18;
	_ =	swait.ge [sflag:s4], $0x4000  }
0x2a: {  	s13 =	sshrl.u32 s14, $0x3;
	[sflag:s4] =	ssyncset.done $0x0  }
0x2b: {  	s13 =	sadd.s32 s15, s13;
	[sflag:s4] =	ssyncadd.s32 $0xFFFFC000  }
0x2c: {  	[tilespmem:s3], [sflag:$0x2] =	stream.linear.gather [hbm4b:s13+s3], $0x80, $0x38;
	[tilespmem:$0x4080] =	vst v63  }
0x2d: {  	_ =	swait.ge [sflag:s4], $0x80  }
0x2e: {  	[sflag:s4] =	ssyncset.done $0x0  }
0x2f: {  	[sflag:s4] =	ssyncadd.s32 $0xFFFFFF80  }
0x30: {  	[tilespmem:s6], [sflag:$0x1] =	stream.indirect.gather [hbm4b:s2+s6], $0x80, s3, s6, $0xb8;
	[tilespmem:$0x4080] =	vst v63  }
0x31: {  	_ =	swait.ge [sflag:s7], $0x4000  }
0x32: {  	s14 =	sshll.u32 s14, $0x4;
	[sflag:s7] =	ssyncset.done $0x0  }
0x33: {  	s14 =	sadd.s32 s17, s14;
	[sflag:s7] =	ssyncadd.s32 $0xFFFFC000  }
0x34: {  	[hbm4b:s14+s3] =	stream.linear.scatter [tilespmem:s6], [sflag:$0x2], $0x4000, $0x38;
	[tilespmem:$0x4080] =	vst v63  }
0x35: {  	s18 =	sadd.s32 $0x200, s18;
	_ =	swait.ge [sflag:s4], $0x4000  }
0x36: {  	s19 =	sshrl.u32 s18, $0x3;
	[sflag:s4] =	ssyncset.done $0x0  }
0x37: {  	s16 =	ssub.s32 $0x2, s16;
	s15 =	sadd.s32 s15, s19;
	[sflag:s4] =	ssyncadd.s32 $0xFFFFC000  }
0x38: {  	[tilespmem:s3], [sflag:$0x2] =	stream.linear.gather [hbm4b:s15+s3], $0x80, $0x38;
	[tilespmem:$0x4080] =	vst v63  }
0x39: {  	s29 =	sshrl.u32 s16, $0x1;
	_ =	swait.ge [sflag:s4], $0x80  }
0x3a: {  	s19 =	ssub.s32 s16, s29;
	[sflag:s4] =	ssyncset.done $0x0  }
0x3b: {  	s31 =	smax.u32 s19, $0x1;
	[sflag:s4] =	ssyncadd.s32 $0xFFFFFF80  }
0x3c: {  	[tilespmem:s6], [sflag:$0x1] =	stream.indirect.gather [hbm4b:s2+s6], $0x80, s3, s6, $0xb8;
	[tilespmem:$0x4080] =	vst v63  }
0x3d: {  	p0 =	sne.s32 s31, $0x1;
	_ =	swait.ge [sflag:s7], $0x4000  }
.Ltmp0:
0x3e: {  	s30 =	sshll.u32 s18, $0x4;
	[sflag:s7] =	ssyncset.done $0x0;
	(pc) =	sbr.rel @!p0 .LBB2_2-.Ltmp0, $4  }
0x3f: {  	s16 =	sadd.s32 s17, s30;
	[sflag:s7] =	ssyncadd.s32 $0xFFFFC000  }
0x40: {  	[hbm4b:s16+s3] =	stream.linear.scatter [tilespmem:s6], [sflag:$0x2], $0x4000, $0x38;
	[tilespmem:$0x4080] =	vst v63  }
0x41: {  	_ =	swait.ge [sflag:s4], $0x4000  }
0x42: {  	s17 =	sadd.s32 $0xFFFFFFFF, s31;
	[sflag:s4] =	ssyncset.done $0x0  }
.LBB2_1:
0x43: {  	p0 =	sne.s32 s17, $0x1;
	s17 =	sadd.s32 $0xFFFFFFFF, s17;
	[sflag:s4] =	ssyncadd.s32 $0xFFFFC000  }
0x44: {  	[tilespmem:s3], [sflag:$0x2] =	stream.linear.gather [hbm4b:s5+s3], $0x80, $0x38;
	[tilespmem:$0x4080] =	vst v63  }
0x45: {  	_ =	swait.ge [sflag:s4], $0x80  }
0x46: {  	[sflag:s4] =	ssyncset.done $0x0  }
0x47: {  	[sflag:s4] =	ssyncadd.s32 $0xFFFFFF80  }
0x48: {  	[tilespmem:s6], [sflag:$0x1] =	stream.indirect.gather [hbm4b:s2+s6], $0x80, s3, s6, $0xb8;
	[tilespmem:$0x4080] =	vst v63  }
0x49: {  	_ =	swait.ge [sflag:s7], $0x4000  }
0x4a: {  	[sflag:s7] =	ssyncset.done $0x0  }
0x4b: {  	[sflag:s7] =	ssyncadd.s32 $0xFFFFC000  }
0x4c: {  	[hbm4b:s8+s3] =	stream.linear.scatter [tilespmem:s6], [sflag:$0x2], $0x4000, $0x38;
	[tilespmem:$0x4080] =	vst v63  }
0x4d: {  	_ =	swait.ge [sflag:s4], $0x4000  }
0x4e: {  	[sflag:s4] =	ssyncset.done $0x0  }
0x4f: {  	[sflag:s4] =	ssyncadd.s32 $0xFFFFC000  }
0x50: {  	[tilespmem:s3], [sflag:$0x2] =	stream.linear.gather [hbm4b:s9+s3], $0x80, $0x38;
	[tilespmem:$0x4080] =	vst v63  }
0x51: {  	_ =	swait.ge [sflag:s4], $0x80  }
0x52: {  	[sflag:s4] =	ssyncset.done $0x0  }
0x53: {  	[sflag:s4] =	ssyncadd.s32 $0xFFFFFF80  }
0x54: {  	[tilespmem:s6], [sflag:$0x1] =	stream.indirect.gather [hbm4b:s2+s6], $0x80, s3, s6, $0xb8;
	[tilespmem:$0x4080] =	vst v63  }
0x55: {  	_ =	swait.ge [sflag:s7], $0x4000  }
0x56: {  	[sflag:s7] =	ssyncset.done $0x0  }
0x57: {  	[sflag:s7] =	ssyncadd.s32 $0xFFFFC000  }
0x58: {  	[hbm4b:s10+s3] =	stream.linear.scatter [tilespmem:s6], [sflag:$0x2], $0x4000, $0x38;
	[tilespmem:$0x4080] =	vst v63  }
0x59: {  	_ =	swait.ge [sflag:s4], $0x4000  }
0x5a: {  	[sflag:s4] =	ssyncset.done $0x0  }
0x5b: {  	[sflag:s4] =	ssyncadd.s32 $0xFFFFC000  }
0x5c: {  	[tilespmem:s3], [sflag:$0x2] =	stream.linear.gather [hbm4b:s11+s3], $0x80, $0x38;
	[tilespmem:$0x4080] =	vst v63  }
0x5d: {  	_ =	swait.ge [sflag:s4], $0x80  }
0x5e: {  	[sflag:s4] =	ssyncset.done $0x0  }
0x5f: {  	[sflag:s4] =	ssyncadd.s32 $0xFFFFFF80  }
0x60: {  	[tilespmem:s6], [sflag:$0x1] =	stream.indirect.gather [hbm4b:s2+s6], $0x80, s3, s6, $0xb8;
	[tilespmem:$0x4080] =	vst v63  }
0x61: {  	_ =	swait.ge [sflag:s7], $0x4000  }
0x62: {  	[sflag:s7] =	ssyncset.done $0x0  }
0x63: {  	[sflag:s7] =	ssyncadd.s32 $0xFFFFC000  }
0x64: {  	[hbm4b:s12+s3] =	stream.linear.scatter [tilespmem:s6], [sflag:$0x2], $0x4000, $0x38;
	[tilespmem:$0x4080] =	vst v63  }
0x65: {  	_ =	swait.ge [sflag:s4], $0x4000  }
0x66: {  	[sflag:s4] =	ssyncset.done $0x0  }
0x67: {  	[sflag:s4] =	ssyncadd.s32 $0xFFFFC000  }
0x68: {  	[tilespmem:s3], [sflag:$0x2] =	stream.linear.gather [hbm4b:s13+s3], $0x80, $0x38;
	[tilespmem:$0x4080] =	vst v63  }
0x69: {  	_ =	swait.ge [sflag:s4], $0x80  }
0x6a: {  	[sflag:s4] =	ssyncset.done $0x0  }
0x6b: {  	[sflag:s4] =	ssyncadd.s32 $0xFFFFFF80  }
0x6c: {  	[tilespmem:s6], [sflag:$0x1] =	stream.indirect.gather [hbm4b:s2+s6], $0x80, s3, s6, $0xb8;
	[tilespmem:$0x4080] =	vst v63  }
0x6d: {  	_ =	swait.ge [sflag:s7], $0x4000  }
0x6e: {  	[sflag:s7] =	ssyncset.done $0x0  }
0x6f: {  	[sflag:s7] =	ssyncadd.s32 $0xFFFFC000  }
0x70: {  	[hbm4b:s14+s3] =	stream.linear.scatter [tilespmem:s6], [sflag:$0x2], $0x4000, $0x38;
	[tilespmem:$0x4080] =	vst v63  }
0x71: {  	_ =	swait.ge [sflag:s4], $0x4000  }
0x72: {  	[sflag:s4] =	ssyncset.done $0x0  }
0x73: {  	[sflag:s4] =	ssyncadd.s32 $0xFFFFC000  }
0x74: {  	[tilespmem:s3], [sflag:$0x2] =	stream.linear.gather [hbm4b:s15+s3], $0x80, $0x38;
	[tilespmem:$0x4080] =	vst v63  }
0x75: {  	_ =	swait.ge [sflag:s4], $0x80  }
0x76: {  	[sflag:s4] =	ssyncset.done $0x0  }
0x77: {  	[sflag:s4] =	ssyncadd.s32 $0xFFFFFF80  }
0x78: {  	[tilespmem:s6], [sflag:$0x1] =	stream.indirect.gather [hbm4b:s2+s6], $0x80, s3, s6, $0xb8;
	[tilespmem:$0x4080] =	vst v63  }
0x79: {  	_ =	swait.ge [sflag:s7], $0x4000  }
.Ltmp1:
0x7a: {  	[sflag:s7] =	ssyncset.done $0x0;
	(pc) =	sbr.rel @p0 .LBB2_1-.Ltmp1, $4  }
0x7b: {  	[sflag:s7] =	ssyncadd.s32 $0xFFFFC000  }
0x7c: {  	[hbm4b:s16+s3] =	stream.linear.scatter [tilespmem:s6], [sflag:$0x2], $0x4000, $0x38;
	[tilespmem:$0x4080] =	vst v63  }
0x7d: {  	_ =	swait.ge [sflag:s4], $0x4000  }
0x7e: {  	[sflag:s4] =	ssyncset.done $0x0  }
.LBB2_2:
0x7f: {  	[sflag:s4] =	ssyncadd.s32 $0xFFFFC000  }
0x80: {  	_ =	sfence.sel $0x180000  }
0x81: {  	[bflag:$0x0] =	sbarrier.arrive $0xFFFF  }
0x82: {  	p0 =	sne.s32 s0, $0x0;
	_ =	strace $0x90000047  }
0x83: {  	s0 =	sadd.s32 @!p0 $0x100000, s1;
	[bflag:$0x2] =	sbarrier.arrive $0xFFFF  }
0x84: {  	[sflag:s0] =	ssyncadd.tile.s32 @!p0 $0x1;
	_ =	shalt  }
.Lfunc_end2:
_tile_overlayer_lowered:
.L_overlay_start_2:
0x85: {  	(tag) =	ssettag $0x2  }
0x86: {  	s0 =	rddreg [dreg:$0x0];
	s2 =	stileid.u32  }
0x87: {  	s1 =	rddreg [dreg:$0x1];
	p0 =	sne.s32 s2, $0x0  }
0x88: {  	s3 =	rddreg [dreg:$0x2];
	[bflag:$0x3] =	sbarrier.arrive $0xFFFF;
	s2 =	simm.s32 @!p0 $0x1C02  }
0x89: {  	[timem:s3], [sflag:s2] =	dma.local @!p0 [hbm:s0], s1  }
0x8a: {  	s0 =	simm.s32 @!p0 $0x2  }
0x8b: {  	_ =	swait.ge @!p0 [sflag:s0], s1  }
0x8c: {  	s1 =	ssub.s32 @!p0 $0x0, s1;
	[sflag:s0] =	ssyncset.done @!p0 $0x0  }
0x8d: {  	[sflag:s0] =	ssyncadd.s32 @!p0 s1  }
0x8e: {  	[bflag:$0x3] =	sbarrier.arrive $0xFFFF  }
0x8f: {  	_ =	shalt  }

</sc_bundles>
